<compile_context>
chip_gen: v7x
topology: tpu7x:2x2x1
jax: 0.10.2.dev20260603
libtpu: 0.0.44.dev20260713+nightly
codegen_flags: <defaults>
</compile_context>

<pallas_src>
import jax
import jax.numpy as jnp
from jax import lax
from jax.experimental import pallas as pl
from jax.experimental.pallas import tpu as pltpu
from jax.experimental.pallas import tpu_sc as plsc

N_NODES = 100000
D_FEAT = 128
N_SEG = 512
CHUNK = 128
NFULL = N_NODES // CHUNK
TAIL = N_NODES - NFULL * CHUNK
NC = 2
NS = 16
NW = NC * NS
CPW = (NFULL + NW - 1) // NW
NPAIR = (CPW + 1) // 2


def _phase1(x_hbm, b_hbm, part_hbm, cntp_hbm,
            xbA, xbB, ibA, ibB, tidx, cnt_local,
            acc_sh, semxA, semiA, semxB, semiB, semsA, semsB):
    cid = lax.axis_index("c")
    sid = lax.axis_index("s")
    w = sid * NC + cid

    def _init_cnt(i, _):
        cnt_local[i, :] = jnp.zeros((16,), jnp.float32)
        return 0
    lax.fori_loop(0, N_SEG, _init_cnt, 0)

    def _init_z(k, _):
        xbA[k // 8, pl.ds((k % 8) * 16, 16)] = jnp.zeros((16,), jnp.float32)
        return 0
    lax.fori_loop(0, 32 * 8, _init_z, 0)
    pltpu.sync_copy(xbA.at[pl.ds(0, 32)], acc_sh.at[pl.ds(sid * 32, 32)])

    def start_in(g, xb, ib, semx, semi):
        row0 = g * CHUNK
        pltpu.async_copy(b_hbm.at[pl.ds(row0, CHUNK)], ib, semi)
        pltpu.async_copy(x_hbm.at[pl.ds(row0, CHUNK)], xb, semx)

    def wait_in(xb, ib, semx, semi):
        pltpu.make_async_copy(b_hbm.at[pl.ds(0, CHUNK)], ib, semi).wait()
        pltpu.make_async_copy(x_hbm.at[pl.ds(0, CHUNK)], xb, semx).wait()

    ones16 = jnp.ones((16,), jnp.float32)

    def count_chunk(ib, ngroups):
        def body(j, _):
            v = ib[pl.ds(j * 16, 16)]
            for k in range(16):
                plsc.addupdate(cnt_local.at[v[k]], ones16)
            return 0
        lax.fori_loop(0, ngroups, body, 0)

    start_in(w, xbA, ibA, semxA, semiA)
    plsc.subcore_barrier()

    def _pair(c2, _):
        ge = w + NW * (2 * c2)
        go = ge + NW
        gne = ge + 2 * NW

        @pl.when(go < NFULL)
        def _():
            start_in(go, xbB, ibB, semxB, semiB)

        @pl.when(ge < NFULL)
        def _():
            wait_in(xbA, ibA, semxA, semiA)
            pltpu.async_copy(xbA, acc_sh.at[ibA], semsA, add=True)
            count_chunk(ibA, CHUNK // 16)
            pltpu.make_async_copy(xbA, acc_sh.at[ibA], semsA).wait()

        @pl.when(gne < NFULL)
        def _():
            start_in(gne, xbA, ibA, semxA, semiA)

        @pl.when(go < NFULL)
        def _():
            wait_in(xbB, ibB, semxB, semiB)
            pltpu.async_copy(xbB, acc_sh.at[ibB], semsB, add=True)
            count_chunk(ibB, CHUNK // 16)
            pltpu.make_async_copy(xbB, acc_sh.at[ibB], semsB).wait()
        return 0

    lax.fori_loop(0, NPAIR, _pair, 0)

    @pl.when(w == (NFULL % NW))
    def _():
        row0 = NFULL * CHUNK
        pltpu.async_copy(b_hbm.at[pl.ds(row0, TAIL)], tidx, semiA).wait()
        pltpu.async_copy(x_hbm.at[pl.ds(row0, TAIL)],
                         xbA.at[pl.ds(0, TAIL)], semxA).wait()
        pltpu.async_copy(xbA.at[pl.ds(0, TAIL)], acc_sh.at[tidx],
                         semsA, add=True)
        count_chunk(tidx, TAIL // 16)
        pltpu.make_async_copy(xbA.at[pl.ds(0, TAIL)], acc_sh.at[tidx],
                              semsA).wait()

    pltpu.sync_copy(cnt_local, cntp_hbm.at[w])

    plsc.subcore_barrier()

    @pl.when(sid == 0)
    def _():
        pltpu.sync_copy(acc_sh, part_hbm.at[cid])


def _combine(p_ref, c_ref, o_ref):
    s = p_ref[0] + p_ref[1]
    cnt = jnp.sum(c_ref[...], axis=0)[:, 0:1]
    o_ref[...] = s / jnp.maximum(cnt, 1.0)


@jax.jit
def kernel(x, batch):
    mesh = plsc.VectorSubcoreMesh(core_axis_name="c", subcore_axis_name="s")
    phase1 = pl.kernel(
        _phase1,
        out_type=[
            jax.ShapeDtypeStruct((NC, N_SEG, D_FEAT), jnp.float32),
            jax.ShapeDtypeStruct((NW, N_SEG, 16), jnp.float32),
        ],
        mesh=mesh,
        scratch_types=[
            pltpu.VMEM((CHUNK, D_FEAT), jnp.float32),
            pltpu.VMEM((CHUNK, D_FEAT), jnp.float32),
            pltpu.VMEM((CHUNK,), jnp.int32),
            pltpu.VMEM((CHUNK,), jnp.int32),
            pltpu.VMEM((TAIL,), jnp.int32),
            pltpu.VMEM((N_SEG, 16), jnp.float32),
            pltpu.VMEM_SHARED((N_SEG, D_FEAT), jnp.float32),
            pltpu.SemaphoreType.DMA,
            pltpu.SemaphoreType.DMA,
            pltpu.SemaphoreType.DMA,
            pltpu.SemaphoreType.DMA,
            pltpu.SemaphoreType.DMA,
            pltpu.SemaphoreType.DMA,
        ],
    )
    partials, cnts = phase1(x, batch)
    out = pl.pallas_call(
        _combine,
        out_shape=jax.ShapeDtypeStruct((N_SEG, D_FEAT), jnp.float32),
    )(partials, cnts)
    return out

# --- scband reference (transcript-rebuilt; emitter-appended) ---
"""Pipeline reference for scband-global-mean-pool-26560077758925 (READ-ONLY COPY).

The authoritative reference and input builder live on the scoring server;
editing this copy changes nothing except your own understanding.
"""

import jax, jax.numpy as jnp
import numpy as np

NUM_SEGMENTS = 512
N_NODES = 100000
D_FEAT = 128


def setup_inputs(seed: int = 0) -> dict:
    key = jax.random.key(seed)
    k1, k2 = jax.random.split(key)
    x = jax.random.normal(k1, (N_NODES, D_FEAT), dtype=jnp.float32)
    batch = jnp.sort(jax.random.randint(k2, (N_NODES,), 0, NUM_SEGMENTS, dtype=jnp.int32))
    return {"x": x, "batch": batch}


def reference(x, batch):
    # global_mean_pool: per-segment mean of node features
    sums = jax.ops.segment_sum(x, batch, num_segments=NUM_SEGMENTS)
    counts = jax.ops.segment_sum(jnp.ones((x.shape[0],), dtype=x.dtype), batch, num_segments=NUM_SEGMENTS)
    counts = jnp.clip(counts, 1.0, None)
    return sums / counts[:, None]

if __name__ == "__main__":
    import jax
    _d = setup_inputs()
    print(jax.jit(kernel)(*tuple(_d.values())))

</pallas_src>

<mosaic_0001>
#map = affine_map<(d0, d1) -> (0, 0)>
#map1 = affine_map<(d0, d1) -> (0)>
#map2 = affine_map<(d0, d1) -> (0, 0, 0)>
module attributes {stable_mosaic.version = 14 : i64} {
  func.func @_phase1(%arg0: i32, %arg1: i32, %arg2: memref<100000x128xf32, #tpu.memory_space<hbm>>, %arg3: memref<100000xi32, #tpu.memory_space<hbm>>, %arg4: memref<2x512x128xf32, #tpu.memory_space<hbm>>, %arg5: memref<32x512x16xf32, #tpu.memory_space<hbm>>, %arg6: memref<128x128xf32, #tpu.memory_space<vmem>>, %arg7: memref<128x128xf32, #tpu.memory_space<vmem>>, %arg8: memref<128xi32, #tpu.memory_space<vmem>>, %arg9: memref<128xi32, #tpu.memory_space<vmem>>, %arg10: memref<32xi32, #tpu.memory_space<vmem>>, %arg11: memref<512x16xf32, #tpu.memory_space<vmem>>, %arg12: memref<512x128xf32, #tpu.memory_space<vmem_shared>>, %arg13: memref<!tpu.dma_semaphore, #tpu.memory_space<semaphore_mem>>, %arg14: memref<!tpu.dma_semaphore, #tpu.memory_space<semaphore_mem>>, %arg15: memref<!tpu.dma_semaphore, #tpu.memory_space<semaphore_mem>>, %arg16: memref<!tpu.dma_semaphore, #tpu.memory_space<semaphore_mem>>, %arg17: memref<!tpu.dma_semaphore, #tpu.memory_space<semaphore_mem>>, %arg18: memref<!tpu.dma_semaphore, #tpu.memory_space<semaphore_mem>>) attributes {dimension_semantics = [#tpu.dimension_semantics<core_parallel>, #tpu.dimension_semantics<subcore_parallel>], iteration_bounds = array<i64: 2, 16>, scalar_prefetch = 0 : i64, scratch_operands = 13 : i64, tpu.core_type = #tpu.core_type<sc_vector_subcore>, window_params = [{transform_indices = #map}, {transform_indices = #map1}, {transform_indices = #map2}, {transform_indices = #map2}]} {
    %mul3A = arith.constant 2 : i32
    %mul3A_0 = arith.muli %arg1, %mul3A : i32
    %add3A = arith.addi %mul3A_0, %arg0 : i32
    %scan3A = arith.constant 0 : i32
    %scan3A_1 = arith.constant 0 : i32
    %scan3A_2 = arith.constant 512 : i32
    %scan3A_3 = arith.addi %scan3A_1, %scan3A_2 : i32
    %scan3A_4 = arith.constant 1 : i32
    %scan3A_5 = scf.for %scan3A_39 = %scan3A_1 to %scan3A_3 step %scan3A_4 iter_args(%scan3A_40 = %scan3A) -> (i32)  : i32 {
      %broadcast_in_dim3A_41 = arith.constant 0.000000e+00 : f32
      %broadcast_in_dim3A_42 = vector.broadcast %broadcast_in_dim3A_41 : f32 to vector<16xf32>
      %swap3A = arith.index_cast %scan3A_39 : i32 to index
      %swap3A_43 = arith.constant 0 : index
      %swap3A_44 = tpu.vector_load %arg11[%swap3A, %swap3A_43] {strides = array<i32>} : memref<512x16xf32, #tpu.memory_space<vmem>>, vector<1x16xf32>,
      %swap3A_45 = vector.shape_cast %swap3A_44 : vector<1x16xf32> to vector<16xf32>
      %swap3A_46 = vector.shape_cast %broadcast_in_dim3A_42 : vector<16xf32> to vector<1x16xf32>
      tpu.vector_store %arg11[%swap3A, %swap3A_43], %swap3A_46 {strides = array<i32>} : memref<512x16xf32, #tpu.memory_space<vmem>>, vector<1x16xf32>,
      %scan3A_47 = arith.constant 0 : i32
      scf.yield %scan3A_47 : i32
    }
    %scan3A_6 = arith.constant 512 : i32
    %scan3A_7 = arith.constant 0 : i32
    %scan3A_8 = arith.constant 0 : i32
    %scan3A_9 = arith.constant 256 : i32
    %scan3A_10 = arith.addi %scan3A_8, %scan3A_9 : i32
    %scan3A_11 = arith.constant 1 : i32
    %scan3A_12 = scf.for %scan3A_39 = %scan3A_8 to %scan3A_10 step %scan3A_11 iter_args(%scan3A_40 = %scan3A_7) -> (i32)  : i32 {
      %broadcast_in_dim3A_41 = arith.constant 0.000000e+00 : f32
      %broadcast_in_dim3A_42 = vector.broadcast %broadcast_in_dim3A_41 : f32 to vector<16xf32>
      %jit3A = arith.constant 8 : i32
      %div3A = arith.divsi %scan3A_39, %jit3A : i32
      %sign3A = arith.constant 0 : i32
      %sign3A_43 = arith.cmpi sgt, %scan3A_39, %sign3A : i32
      %sign3A_44 = arith.extui %sign3A_43 : i1 to i32
      %sign3A_45 = arith.constant 0 : i32
      %sign3A_46 = arith.cmpi slt, %scan3A_39, %sign3A_45 : i32
      %sign3A_47 = arith.extui %sign3A_46 : i1 to i32
      %sign3A_48 = arith.subi %sign3A_44, %sign3A_47 : i32
      %sign3A_49 = arith.constant 0 : i32
      %sign3A_50 = arith.cmpi sgt, %jit3A, %sign3A_49 : i32
      %sign3A_51 = arith.extui %sign3A_50 : i1 to i32
      %sign3A_52 = arith.constant 0 : i32
      %sign3A_53 = arith.cmpi slt, %jit3A, %sign3A_52 : i32
      %sign3A_54 = arith.extui %sign3A_53 : i1 to i32
      %sign3A_55 = arith.subi %sign3A_51, %sign3A_54 : i32
      %ne3A = arith.cmpi ne, %sign3A_48, %sign3A_55 : i32
      %rem3A = arith.remsi %scan3A_39, %jit3A : i32
      %ne3A_56 = arith.constant 0 : i32
      %ne3A_57 = arith.cmpi ne, %rem3A, %ne3A_56 : i32
      %and3A = arith.andi %ne3A, %ne3A_57 : i1
      %sub3A = arith.constant 1 : i32
      %sub3A_58 = arith.subi %div3A, %sub3A : i32
      %select_n3A = arith.select %and3A, %sub3A_58, %div3A : i32
      %jit3A_59 = arith.constant 8 : i32
      %eq3A_60 = arith.constant 0 : i32
      %eq3A_61 = arith.cmpi eq, %jit3A_59, %eq3A_60 : i32
      %jit3A_62 = arith.constant 1 : i32
      %select_n3A_63 = arith.select %eq3A_61, %jit3A_62, %jit3A_59 : i32
      %rem3A_64 = arith.remsi %scan3A_39, %select_n3A_63 : i32
      %ne3A_65 = arith.constant 0 : i32
      %ne3A_66 = arith.cmpi ne, %rem3A_64, %ne3A_65 : i32
      %lt3A = arith.constant 0 : i32
      %lt3A_67 = arith.cmpi slt, %rem3A_64, %lt3A : i32
      %lt3A_68 = arith.constant 0 : i32
      %lt3A_69 = arith.cmpi slt, %select_n3A_63, %lt3A_68 : i32
      %ne3A_70 = arith.xori %lt3A_67, %lt3A_69 : i1
      %and3A_71 = arith.andi %ne3A_70, %ne3A_66 : i1
      %add3A_72 = arith.addi %rem3A_64, %select_n3A_63 : i32
      %select_n3A_73 = arith.select %and3A_71, %add3A_72, %rem3A_64 : i32
      %mul3A_74 = arith.constant 16 : i32
      %mul3A_75 = arith.muli %select_n3A_73, %mul3A_74 : i32
      %swap3A = arith.index_cast %select_n3A : i32 to index
      %swap3A_76 = arith.index_cast %mul3A_75 : i32 to index
      %swap3A_77 = tpu.vector_load %arg6[%swap3A, %swap3A_76] {strides = array<i32>} : memref<128x128xf32, #tpu.memory_space<vmem>>, vector<1x16xf32>,
      %swap3A_78 = vector.shape_cast %swap3A_77 : vector<1x16xf32> to vector<16xf32>
      %swap3A_79 = vector.shape_cast %broadcast_in_dim3A_42 : vector<16xf32> to vector<1x16xf32>
      tpu.vector_store %arg6[%swap3A, %swap3A_76], %swap3A_79 {strides = array<i32>} : memref<128x128xf32, #tpu.memory_space<vmem>>, vector<1x16xf32>,
      %scan3A_80 = arith.constant 0 : i32
      scf.yield %scan3A_80 : i32
    }
    %scan3A_13 = arith.constant 256 : i32
    %mul3A_14 = arith.constant 32 : i32
    %mul3A_15 = arith.muli %arg1, %mul3A_14 : i32
    "tpu.region"() ({
      %run_scoped3A = tpu.sem_alloc : memref<!tpu.dma_semaphore, #tpu.memory_space<semaphore_mem>>
      %dma_start3A_39 = arith.constant 0 : i32
      %dma_start3A_40 = arith.constant 0 : i32
      %dma_start3A_41 = tpu.memref_slice %arg6[%dma_start3A_39, %dma_start3A_40] : memref<128x128xf32, #tpu.memory_space<vmem>> -> memref<32x128xf32, #tpu.memory_space<vmem>>
      %dma_start3A_42 = arith.constant 0 : i32
      %dma_start3A_43 = tpu.memref_slice %arg12[%mul3A_15, %dma_start3A_42] : memref<512x128xf32, #tpu.memory_space<vmem_shared>> -> memref<32x128xf32, #tpu.memory_space<vmem_shared>>
      %dma_start3A_44 = arith.constant 0 : i32
      %dma_start3A_45 = tpu.memref_slice %arg12[%mul3A_15, %dma_start3A_44] : memref<512x128xf32, #tpu.memory_space<vmem_shared>> -> memref<32x128xf32, #tpu.memory_space<vmem_shared>>
      %dma_start3A_46 = arith.constant 0 : i32
      %dma_start3A_47 = arith.constant 0 : i32
      %dma_start3A_48 = tpu.memref_slice %arg6[%dma_start3A_46, %dma_start3A_47] : memref<128x128xf32, #tpu.memory_space<vmem>> -> memref<32x128xf32, #tpu.memory_space<vmem>>
      tpu.enqueue_dma source(%dma_start3A_48 : memref<32x128xf32, #tpu.memory_space<vmem>>) target(%dma_start3A_45 : memref<32x128xf32, #tpu.memory_space<vmem_shared>>) target_semaphore(%run_scoped3A : memref<!tpu.dma_semaphore, #tpu.memory_space<semaphore_mem>>)
      %dma_wait3A = arith.constant 0 : i32
      %dma_wait3A_49 = arith.constant 0 : i32
      %dma_wait3A_50 = tpu.memref_slice %arg6[%dma_wait3A, %dma_wait3A_49] : memref<128x128xf32, #tpu.memory_space<vmem>> -> memref<32x128xf32, #tpu.memory_space<vmem>>
      %dma_wait3A_51 = arith.constant 0 : i32
      %dma_wait3A_52 = tpu.memref_slice %arg12[%mul3A_15, %dma_wait3A_51] : memref<512x128xf32, #tpu.memory_space<vmem_shared>> -> memref<32x128xf32, #tpu.memory_space<vmem_shared>>
      %dma_wait3A_53 = arith.constant 0 : i32
      %dma_wait3A_54 = tpu.memref_slice %arg12[%mul3A_15, %dma_wait3A_53] : memref<512x128xf32, #tpu.memory_space<vmem_shared>> -> memref<32x128xf32, #tpu.memory_space<vmem_shared>>
      %dma_wait3A_55 = arith.constant 0 : i32
      %dma_wait3A_56 = arith.constant 0 : i32
      %dma_wait3A_57 = tpu.memref_slice %arg6[%dma_wait3A_55, %dma_wait3A_56] : memref<128x128xf32, #tpu.memory_space<vmem>> -> memref<32x128xf32, #tpu.memory_space<vmem>>
      tpu.wait_dma2 semaphore(%run_scoped3A : memref<!tpu.dma_semaphore, #tpu.memory_space<semaphore_mem>>) src(%dma_wait3A_57 : memref<32x128xf32, #tpu.memory_space<vmem>>) dst(%dma_wait3A_54 : memref<32x128xf32, #tpu.memory_space<vmem_shared>>)
      tpu.yield
    }) : () -> ()
    %broadcast_in_dim3A = arith.constant 1.000000e+00 : f32
    %broadcast_in_dim3A_16 = vector.broadcast %broadcast_in_dim3A : f32 to vector<16xf32>
    %mul3A_17 = arith.constant 128 : i32
    %mul3A_18 = arith.muli %add3A, %mul3A_17 : i32
    %dma_start3A = tpu.memref_slice %arg3[%mul3A_18] : memref<100000xi32, #tpu.memory_space<hbm>> -> memref<128xi32, #tpu.memory_space<hbm>>
    %dma_start3A_19 = tpu.memref_slice %arg3[%mul3A_18] : memref<100000xi32, #tpu.memory_space<hbm>> -> memref<128xi32, #tpu.memory_space<hbm>>
    tpu.enqueue_dma source(%dma_start3A_19 : memref<128xi32, #tpu.memory_space<hbm>>) target(%arg8 : memref<128xi32, #tpu.memory_space<vmem>>) target_semaphore(%arg14 : memref<!tpu.dma_semaphore, #tpu.memory_space<semaphore_mem>>)
    %dma_start3A_20 = arith.constant 0 : i32
    %dma_start3A_21 = tpu.memref_slice %arg2[%mul3A_18, %dma_start3A_20] : memref<100000x128xf32, #tpu.memory_space<hbm>> -> memref<128x128xf32, #tpu.memory_space<hbm>>
    %dma_start3A_22 = arith.constant 0 : i32
    %dma_start3A_23 = tpu.memref_slice %arg2[%mul3A_18, %dma_start3A_22] : memref<100000x128xf32, #tpu.memory_space<hbm>> -> memref<128x128xf32, #tpu.memory_space<hbm>>
    tpu.enqueue_dma source(%dma_start3A_23 : memref<128x128xf32, #tpu.memory_space<hbm>>) target(%arg6 : memref<128x128xf32, #tpu.memory_space<vmem>>) target_semaphore(%arg13 : memref<!tpu.dma_semaphore, #tpu.memory_space<semaphore_mem>>)
    %barrier3A = arith.constant 0 : index
    tpu.barrier barrier_id(%barrier3A)
    %scan3A_24 = arith.constant 0 : i32
    %scan3A_25 = arith.constant 0 : i32
    %scan3A_26 = arith.constant 13 : i32
    %scan3A_27 = arith.addi %scan3A_25, %scan3A_26 : i32
    %scan3A_28 = arith.constant 1 : i32
    %scan3A_29 = scf.for %scan3A_39 = %scan3A_25 to %scan3A_27 step %scan3A_28 iter_args(%scan3A_40 = %scan3A_24) -> (i32)  : i32 {
      %mul3A_41 = arith.constant 2 : i32
      %mul3A_42 = arith.muli %mul3A_41, %scan3A_39 : i32
      %mul3A_43 = arith.constant 32 : i32
      %mul3A_44 = arith.muli %mul3A_43, %mul3A_42 : i32
      %add3A_45 = arith.addi %add3A, %mul3A_44 : i32
      %add3A_46 = arith.constant 32 : i32
      %add3A_47 = arith.addi %add3A_45, %add3A_46 : i32
      %add3A_48 = arith.constant 64 : i32
      %add3A_49 = arith.addi %add3A_45, %add3A_48 : i32
      %lt3A = arith.constant 781 : i32
      %lt3A_50 = arith.cmpi slt, %add3A_47, %lt3A : i32
      %convert_element_type3A_51 = arith.extui %lt3A_50 : i1 to i32
      %cond3A_52 = arith.constant 0 : i32
      %cond3A_53 = arith.cmpi ne, %convert_element_type3A_51, %cond3A_52 : i32
      scf.if %cond3A_53 {
        %mul3A_70 = arith.constant 128 : i32
        %mul3A_71 = arith.muli %add3A_47, %mul3A_70 : i32
        %dma_start3A_72 = tpu.memref_slice %arg3[%mul3A_71] : memref<100000xi32, #tpu.memory_space<hbm>> -> memref<128xi32, #tpu.memory_space<hbm>>
        %dma_start3A_73 = tpu.memref_slice %arg3[%mul3A_71] : memref<100000xi32, #tpu.memory_space<hbm>> -> memref<128xi32, #tpu.memory_space<hbm>>
        tpu.enqueue_dma source(%dma_start3A_73 : memref<128xi32, #tpu.memory_space<hbm>>) target(%arg9 : memref<128xi32, #tpu.memory_space<vmem>>) target_semaphore(%arg16 : memref<!tpu.dma_semaphore, #tpu.memory_space<semaphore_mem>>)
        %dma_start3A_74 = arith.constant 0 : i32
        %dma_start3A_75 = tpu.memref_slice %arg2[%mul3A_71, %dma_start3A_74] : memref<100000x128xf32, #tpu.memory_space<hbm>> -> memref<128x128xf32, #tpu.memory_space<hbm>>
        %dma_start3A_76 = arith.constant 0 : i32
        %dma_start3A_77 = tpu.memref_slice %arg2[%mul3A_71, %dma_start3A_76] : memref<100000x128xf32, #tpu.memory_space<hbm>> -> memref<128x128xf32, #tpu.memory_space<hbm>>
        tpu.enqueue_dma source(%dma_start3A_77 : memref<128x128xf32, #tpu.memory_space<hbm>>) target(%arg7 : memref<128x128xf32, #tpu.memory_space<vmem>>) target_semaphore(%arg15 : memref<!tpu.dma_semaphore, #tpu.memory_space<semaphore_mem>>)
      } else {
      }
      %lt3A_54 = arith.constant 781 : i32
      %lt3A_55 = arith.cmpi slt, %add3A_45, %lt3A_54 : i32
      %convert_element_type3A_56 = arith.extui %lt3A_55 : i1 to i32
      %cond3A_57 = arith.constant 0 : i32
      %cond3A_58 = arith.cmpi ne, %convert_element_type3A_56, %cond3A_57 : i32
      scf.if %cond3A_58 {
        %dma_wait3A = arith.constant 0 : i32
        %dma_wait3A_70 = tpu.memref_slice %arg3[%dma_wait3A] : memref<100000xi32, #tpu.memory_space<hbm>> -> memref<128xi32, #tpu.memory_space<hbm>>
        %dma_wait3A_71 = arith.constant 0 : i32
        %dma_wait3A_72 = tpu.memref_slice %arg3[%dma_wait3A_71] : memref<100000xi32, #tpu.memory_space<hbm>> -> memref<128xi32, #tpu.memory_space<hbm>>
        tpu.wait_dma2 semaphore(%arg14 : memref<!tpu.dma_semaphore, #tpu.memory_space<semaphore_mem>>) src(%dma_wait3A_72 : memref<128xi32, #tpu.memory_space<hbm>>) dst(%arg8 : memref<128xi32, #tpu.memory_space<vmem>>)
        %dma_wait3A_73 = arith.constant 0 : i32
        %dma_wait3A_74 = arith.constant 0 : i32
        %dma_wait3A_75 = tpu.memref_slice %arg2[%dma_wait3A_73, %dma_wait3A_74] : memref<100000x128xf32, #tpu.memory_space<hbm>> -> memref<128x128xf32, #tpu.memory_space<hbm>>
        %dma_wait3A_76 = arith.constant 0 : i32
        %dma_wait3A_77 = arith.constant 0 : i32
        %dma_wait3A_78 = tpu.memref_slice %arg2[%dma_wait3A_76, %dma_wait3A_77] : memref<100000x128xf32, #tpu.memory_space<hbm>> -> memref<128x128xf32, #tpu.memory_space<hbm>>
        tpu.wait_dma2 semaphore(%arg13 : memref<!tpu.dma_semaphore, #tpu.memory_space<semaphore_mem>>) src(%dma_wait3A_78 : memref<128x128xf32, #tpu.memory_space<hbm>>) dst(%arg6 : memref<128x128xf32, #tpu.memory_space<vmem>>)
        %dma_start3A_79 = arith.constant 0 : i32
        %dma_start3A_80 = arith.constant 0 : i32
        %dma_start3A_81 = tpu.memref_slice %arg12[%dma_start3A_79, %dma_start3A_80] : memref<512x128xf32, #tpu.memory_space<vmem_shared>> -> memref<512x128xf32, #tpu.memory_space<vmem_shared>>
        tpu.enqueue_indirect_dma source(%arg6 : memref<128x128xf32, #tpu.memory_space<vmem>>) target(%dma_start3A_81 : memref<512x128xf32, #tpu.memory_space<vmem_shared>>) offsets(%arg8 : memref<128xi32, #tpu.memory_space<vmem>>) semaphore(%arg17 : memref<!tpu.dma_semaphore, #tpu.memory_space<semaphore_mem>>) {add = true}
        %scan3A_82 = arith.constant 0 : i32
        %scan3A_83 = arith.constant 0 : i32
        %scan3A_84 = arith.constant 8 : i32
        %scan3A_85 = arith.addi %scan3A_83, %scan3A_84 : i32
        %scan3A_86 = arith.constant 1 : i32
        %scan3A_87 = scf.for %scan3A_92 = %scan3A_83 to %scan3A_85 step %scan3A_86 iter_args(%scan3A_93 = %scan3A_82) -> (i32)  : i32 {
          %mul3A_94 = arith.constant 16 : i32
          %mul3A_95 = arith.muli %scan3A_92, %mul3A_94 : i32
          %get3A = arith.index_cast %mul3A_95 : i32 to index
          %get3A_96 = tpu.vector_load %arg8[%get3A] {strides = array<i32>} : memref<128xi32, #tpu.memory_space<vmem>>, vector<16xi32>,
          %get3A_97 = vector.shape_cast %get3A_96 : vector<16xi32> to vector<16xi32>
          %slice3A = vector.extract_strided_slice %get3A_97 {offsets = [0], sizes = [1], strides = [1]} : vector<16xi32> to vector<1xi32>
          %squeeze3A = vector.extract %slice3A[0] : i32 from vector<1xi32>
          %swap3A = arith.index_cast %squeeze3A : i32 to index
          %swap3A_98 = arith.constant 0 : index
          %swap3A_99 = tpu.vector_load %arg11[%swap3A, %swap3A_98] {strides = array<i32>} : memref<512x16xf32, #tpu.memory_space<vmem>>, vector<1x16xf32>,
          %swap3A_100 = vector.shape_cast %swap3A_99 : vector<1x16xf32> to vector<16xf32>
          %swap3A_101 = vector.shape_cast %broadcast_in_dim3A_16 : vector<16xf32> to vector<1x16xf32>
          tpu.vector_store %arg11[%swap3A, %swap3A_98], %swap3A_101 {add = true, strides = array<i32>} : memref<512x16xf32, #tpu.memory_space<vmem>>, vector<1x16xf32>,
          %slice3A_102 = vector.extract_strided_slice %get3A_97 {offsets = [1], sizes = [1], strides = [1]} : vector<16xi32> to vector<1xi32>
          %squeeze3A_103 = vector.extract %slice3A_102[0] : i32 from vector<1xi32>
          %swap3A_104 = arith.index_cast %squeeze3A_103 : i32 to index
          %swap3A_105 = arith.constant 0 : index
          %swap3A_106 = tpu.vector_load %arg11[%swap3A_104, %swap3A_105] {strides = array<i32>} : memref<512x16xf32, #tpu.memory_space<vmem>>, vector<1x16xf32>,
          %swap3A_107 = vector.shape_cast %swap3A_106 : vector<1x16xf32> to vector<16xf32>
          %swap3A_108 = vector.shape_cast %broadcast_in_dim3A_16 : vector<16xf32> to vector<1x16xf32>
          tpu.vector_store %arg11[%swap3A_104, %swap3A_105], %swap3A_108 {add = true, strides = array<i32>} : memref<512x16xf32, #tpu.memory_space<vmem>>, vector<1x16xf32>,
          %slice3A_109 = vector.extract_strided_slice %get3A_97 {offsets = [2], sizes = [1], strides = [1]} : vector<16xi32> to vector<1xi32>
          %squeeze3A_110 = vector.extract %slice3A_109[0] : i32 from vector<1xi32>
          %swap3A_111 = arith.index_cast %squeeze3A_110 : i32 to index
          %swap3A_112 = arith.constant 0 : index
          %swap3A_113 = tpu.vector_load %arg11[%swap3A_111, %swap3A_112] {strides = array<i32>} : memref<512x16xf32, #tpu.memory_space<vmem>>, vector<1x16xf32>,
          %swap3A_114 = vector.shape_cast %swap3A_113 : vector<1x16xf32> to vector<16xf32>
          %swap3A_115 = vector.shape_cast %broadcast_in_dim3A_16 : vector<16xf32> to vector<1x16xf32>
          tpu.vector_store %arg11[%swap3A_111, %swap3A_112], %swap3A_115 {add = true, strides = array<i32>} : memref<512x16xf32, #tpu.memory_space<vmem>>, vector<1x16xf32>,
          %slice3A_116 = vector.extract_strided_slice %get3A_97 {offsets = [3], sizes = [1], strides = [1]} : vector<16xi32> to vector<1xi32>
          %squeeze3A_117 = vector.extract %slice3A_116[0] : i32 from vector<1xi32>
          %swap3A_118 = arith.index_cast %squeeze3A_117 : i32 to index
          %swap3A_119 = arith.constant 0 : index
          %swap3A_120 = tpu.vector_load %arg11[%swap3A_118, %swap3A_119] {strides = array<i32>} : memref<512x16xf32, #tpu.memory_space<vmem>>, vector<1x16xf32>,
          %swap3A_121 = vector.shape_cast %swap3A_120 : vector<1x16xf32> to vector<16xf32>
          %swap3A_122 = vector.shape_cast %broadcast_in_dim3A_16 : vector<16xf32> to vector<1x16xf32>
          tpu.vector_store %arg11[%swap3A_118, %swap3A_119], %swap3A_122 {add = true, strides = array<i32>} : memref<512x16xf32, #tpu.memory_space<vmem>>, vector<1x16xf32>,
          %slice3A_123 = vector.extract_strided_slice %get3A_97 {offsets = [4], sizes = [1], strides = [1]} : vector<16xi32> to vector<1xi32>
          %squeeze3A_124 = vector.extract %slice3A_123[0] : i32 from vector<1xi32>
          %swap3A_125 = arith.index_cast %squeeze3A_124 : i32 to index
          %swap3A_126 = arith.constant 0 : index
          %swap3A_127 = tpu.vector_load %arg11[%swap3A_125, %swap3A_126] {strides = array<i32>} : memref<512x16xf32, #tpu.memory_space<vmem>>, vector<1x16xf32>,
          %swap3A_128 = vector.shape_cast %swap3A_127 : vector<1x16xf32> to vector<16xf32>
          %swap3A_129 = vector.shape_cast %broadcast_in_dim3A_16 : vector<16xf32> to vector<1x16xf32>
          tpu.vector_store %arg11[%swap3A_125, %swap3A_126], %swap3A_129 {add = true, strides = array<i32>} : memref<512x16xf32, #tpu.memory_space<vmem>>, vector<1x16xf32>,
          %slice3A_130 = vector.extract_strided_slice %get3A_97 {offsets = [5], sizes = [1], strides = [1]} : vector<16xi32> to vector<1xi32>
          %squeeze3A_131 = vector.extract %slice3A_130[0] : i32 from vector<1xi32>
          %swap3A_132 = arith.index_cast %squeeze3A_131 : i32 to index
          %swap3A_133 = arith.constant 0 : index
          %swap3A_134 = tpu.vector_load %arg11[%swap3A_132, %swap3A_133] {strides = array<i32>} : memref<512x16xf32, #tpu.memory_space<vmem>>, vector<1x16xf32>,
          %swap3A_135 = vector.shape_cast %swap3A_134 : vector<1x16xf32> to vector<16xf32>
          %swap3A_136 = vector.shape_cast %broadcast_in_dim3A_16 : vector<16xf32> to vector<1x16xf32>
          tpu.vector_store %arg11[%swap3A_132, %swap3A_133], %swap3A_136 {add = true, strides = array<i32>} : memref<512x16xf32, #tpu.memory_space<vmem>>, vector<1x16xf32>,
          %slice3A_137 = vector.extract_strided_slice %get3A_97 {offsets = [6], sizes = [1], strides = [1]} : vector<16xi32> to vector<1xi32>
          %squeeze3A_138 = vector.extract %slice3A_137[0] : i32 from vector<1xi32>
          %swap3A_139 = arith.index_cast %squeeze3A_138 : i32 to index
          %swap3A_140 = arith.constant 0 : index
          %swap3A_141 = tpu.vector_load %arg11[%swap3A_139, %swap3A_140] {strides = array<i32>} : memref<512x16xf32, #tpu.memory_space<vmem>>, vector<1x16xf32>,
          %swap3A_142 = vector.shape_cast %swap3A_141 : vector<1x16xf32> to vector<16xf32>
          %swap3A_143 = vector.shape_cast %broadcast_in_dim3A_16 : vector<16xf32> to vector<1x16xf32>
          tpu.vector_store %arg11[%swap3A_139, %swap3A_140], %swap3A_143 {add = true, strides = array<i32>} : memref<512x16xf32, #tpu.memory_space<vmem>>, vector<1x16xf32>,
          %slice3A_144 = vector.extract_strided_slice %get3A_97 {offsets = [7], sizes = [1], strides = [1]} : vector<16xi32> to vector<1xi32>
          %squeeze3A_145 = vector.extract %slice3A_144[0] : i32 from vector<1xi32>
          %swap3A_146 = arith.index_cast %squeeze3A_145 : i32 to index
          %swap3A_147 = arith.constant 0 : index
          %swap3A_148 = tpu.vector_load %arg11[%swap3A_146, %swap3A_147] {strides = array<i32>} : memref<512x16xf32, #tpu.memory_space<vmem>>, vector<1x16xf32>,
          %swap3A_149 = vector.shape_cast %swap3A_148 : vector<1x16xf32> to vector<16xf32>
          %swap3A_150 = vector.shape_cast %broadcast_in_dim3A_16 : vector<16xf32> to vector<1x16xf32>
          tpu.vector_store %arg11[%swap3A_146, %swap3A_147], %swap3A_150 {add = true, strides = array<i32>} : memref<512x16xf32, #tpu.memory_space<vmem>>, vector<1x16xf32>,
          %slice3A_151 = vector.extract_strided_slice %get3A_97 {offsets = [8], sizes = [1], strides = [1]} : vector<16xi32> to vector<1xi32>
          %squeeze3A_152 = vector.extract %slice3A_151[0] : i32 from vector<1xi32>
          %swap3A_153 = arith.index_cast %squeeze3A_152 : i32 to index
          %swap3A_154 = arith.constant 0 : index
          %swap3A_155 = tpu.vector_load %arg11[%swap3A_153, %swap3A_154] {strides = array<i32>} : memref<512x16xf32, #tpu.memory_space<vmem>>, vector<1x16xf32>,
          %swap3A_156 = vector.shape_cast %swap3A_155 : vector<1x16xf32> to vector<16xf32>
          %swap3A_157 = vector.shape_cast %broadcast_in_dim3A_16 : vector<16xf32> to vector<1x16xf32>
          tpu.vector_store %arg11[%swap3A_153, %swap3A_154], %swap3A_157 {add = true, strides = array<i32>} : memref<512x16xf32, #tpu.memory_space<vmem>>, vector<1x16xf32>,
          %slice3A_158 = vector.extract_strided_slice %get3A_97 {offsets = [9], sizes = [1], strides = [1]} : vector<16xi32> to vector<1xi32>
          %squeeze3A_159 = vector.extract %slice3A_158[0] : i32 from vector<1xi32>
          %swap3A_160 = arith.index_cast %squeeze3A_159 : i32 to index
          %swap3A_161 = arith.constant 0 : index
          %swap3A_162 = tpu.vector_load %arg11[%swap3A_160, %swap3A_161] {strides = array<i32>} : memref<512x16xf32, #tpu.memory_space<vmem>>, vector<1x16xf32>,
          %swap3A_163 = vector.shape_cast %swap3A_162 : vector<1x16xf32> to vector<16xf32>
          %swap3A_164 = vector.shape_cast %broadcast_in_dim3A_16 : vector<16xf32> to vector<1x16xf32>
          tpu.vector_store %arg11[%swap3A_160, %swap3A_161], %swap3A_164 {add = true, strides = array<i32>} : memref<512x16xf32, #tpu.memory_space<vmem>>, vector<1x16xf32>,
          %slice3A_165 = vector.extract_strided_slice %get3A_97 {offsets = [10], sizes = [1], strides = [1]} : vector<16xi32> to vector<1xi32>
          %squeeze3A_166 = vector.extract %slice3A_165[0] : i32 from vector<1xi32>
          %swap3A_167 = arith.index_cast %squeeze3A_166 : i32 to index
          %swap3A_168 = arith.constant 0 : index
          %swap3A_169 = tpu.vector_load %arg11[%swap3A_167, %swap3A_168] {strides = array<i32>} : memref<512x16xf32, #tpu.memory_space<vmem>>, vector<1x16xf32>,
          %swap3A_170 = vector.shape_cast %swap3A_169 : vector<1x16xf32> to vector<16xf32>
          %swap3A_171 = vector.shape_cast %broadcast_in_dim3A_16 : vector<16xf32> to vector<1x16xf32>
          tpu.vector_store %arg11[%swap3A_167, %swap3A_168], %swap3A_171 {add = true, strides = array<i32>} : memref<512x16xf32, #tpu.memory_space<vmem>>, vector<1x16xf32>,
          %slice3A_172 = vector.extract_strided_slice %get3A_97 {offsets = [11], sizes = [1], strides = [1]} : vector<16xi32> to vector<1xi32>
          %squeeze3A_173 = vector.extract %slice3A_172[0] : i32 from vector<1xi32>
          %swap3A_174 = arith.index_cast %squeeze3A_173 : i32 to index
          %swap3A_175 = arith.constant 0 : index
          %swap3A_176 = tpu.vector_load %arg11[%swap3A_174, %swap3A_175] {strides = array<i32>} : memref<512x16xf32, #tpu.memory_space<vmem>>, vector<1x16xf32>,
          %swap3A_177 = vector.shape_cast %swap3A_176 : vector<1x16xf32> to vector<16xf32>
          %swap3A_178 = vector.shape_cast %broadcast_in_dim3A_16 : vector<16xf32> to vector<1x16xf32>
          tpu.vector_store %arg11[%swap3A_174, %swap3A_175], %swap3A_178 {add = true, strides = array<i32>} : memref<512x16xf32, #tpu.memory_space<vmem>>, vector<1x16xf32>,
          %slice3A_179 = vector.extract_strided_slice %get3A_97 {offsets = [12], sizes = [1], strides = [1]} : vector<16xi32> to vector<1xi32>
          %squeeze3A_180 = vector.extract %slice3A_179[0] : i32 from vector<1xi32>
          %swap3A_181 = arith.index_cast %squeeze3A_180 : i32 to index
          %swap3A_182 = arith.constant 0 : index
          %swap3A_183 = tpu.vector_load %arg11[%swap3A_181, %swap3A_182] {strides = array<i32>} : memref<512x16xf32, #tpu.memory_space<vmem>>, vector<1x16xf32>,
          %swap3A_184 = vector.shape_cast %swap3A_183 : vector<1x16xf32> to vector<16xf32>
          %swap3A_185 = vector.shape_cast %broadcast_in_dim3A_16 : vector<16xf32> to vector<1x16xf32>
          tpu.vector_store %arg11[%swap3A_181, %swap3A_182], %swap3A_185 {add = true, strides = array<i32>} : memref<512x16xf32, #tpu.memory_space<vmem>>, vector<1x16xf32>,
          %slice3A_186 = vector.extract_strided_slice %get3A_97 {offsets = [13], sizes = [1], strides = [1]} : vector<16xi32> to vector<1xi32>
          %squeeze3A_187 = vector.extract %slice3A_186[0] : i32 from vector<1xi32>
          %swap3A_188 = arith.index_cast %squeeze3A_187 : i32 to index
          %swap3A_189 = arith.constant 0 : index
          %swap3A_190 = tpu.vector_load %arg11[%swap3A_188, %swap3A_189] {strides = array<i32>} : memref<512x16xf32, #tpu.memory_space<vmem>>, vector<1x16xf32>,
          %swap3A_191 = vector.shape_cast %swap3A_190 : vector<1x16xf32> to vector<16xf32>
          %swap3A_192 = vector.shape_cast %broadcast_in_dim3A_16 : vector<16xf32> to vector<1x16xf32>
          tpu.vector_store %arg11[%swap3A_188, %swap3A_189], %swap3A_192 {add = true, strides = array<i32>} : memref<512x16xf32, #tpu.memory_space<vmem>>, vector<1x16xf32>,
          %slice3A_193 = vector.extract_strided_slice %get3A_97 {offsets = [14], sizes = [1], strides = [1]} : vector<16xi32> to vector<1xi32>
          %squeeze3A_194 = vector.extract %slice3A_193[0] : i32 from vector<1xi32>
          %swap3A_195 = arith.index_cast %squeeze3A_194 : i32 to index
          %swap3A_196 = arith.constant 0 : index
          %swap3A_197 = tpu.vector_load %arg11[%swap3A_195, %swap3A_196] {strides = array<i32>} : memref<512x16xf32, #tpu.memory_space<vmem>>, vector<1x16xf32>,
          %swap3A_198 = vector.shape_cast %swap3A_197 : vector<1x16xf32> to vector<16xf32>
          %swap3A_199 = vector.shape_cast %broadcast_in_dim3A_16 : vector<16xf32> to vector<1x16xf32>
          tpu.vector_store %arg11[%swap3A_195, %swap3A_196], %swap3A_199 {add = true, strides = array<i32>} : memref<512x16xf32, #tpu.memory_space<vmem>>, vector<1x16xf32>,
          %slice3A_200 = vector.extract_strided_slice %get3A_97 {offsets = [15], sizes = [1], strides = [1]} : vector<16xi32> to vector<1xi32>
          %squeeze3A_201 = vector.extract %slice3A_200[0] : i32 from vector<1xi32>
          %swap3A_202 = arith.index_cast %squeeze3A_201 : i32 to index
          %swap3A_203 = arith.constant 0 : index
          %swap3A_204 = tpu.vector_load %arg11[%swap3A_202, %swap3A_203] {strides = array<i32>} : memref<512x16xf32, #tpu.memory_space<vmem>>, vector<1x16xf32>,
          %swap3A_205 = vector.shape_cast %swap3A_204 : vector<1x16xf32> to vector<16xf32>
          %swap3A_206 = vector.shape_cast %broadcast_in_dim3A_16 : vector<16xf32> to vector<1x16xf32>
          tpu.vector_store %arg11[%swap3A_202, %swap3A_203], %swap3A_206 {add = true, strides = array<i32>} : memref<512x16xf32, #tpu.memory_space<vmem>>, vector<1x16xf32>,
          %scan3A_207 = arith.constant 0 : i32
          scf.yield %scan3A_207 : i32
        }
        %scan3A_88 = arith.constant 8 : i32
        %dma_wait3A_89 = arith.constant 0 : i32
        %dma_wait3A_90 = arith.constant 0 : i32
        %dma_wait3A_91 = tpu.memref_slice %arg12[%dma_wait3A_89, %dma_wait3A_90] : memref<512x128xf32, #tpu.memory_space<vmem_shared>> -> memref<512x128xf32, #tpu.memory_space<vmem_shared>>
        tpu.wait_indirect_dma semaphore(%arg17 : memref<!tpu.dma_semaphore, #tpu.memory_space<semaphore_mem>>) src(%arg6 : memref<128x128xf32, #tpu.memory_space<vmem>>) dst(%dma_wait3A_91 : memref<512x128xf32, #tpu.memory_space<vmem_shared>>)
      } else {
      }
      %lt3A_59 = arith.constant 781 : i32
      %lt3A_60 = arith.cmpi slt, %add3A_49, %lt3A_59 : i32
      %convert_element_type3A_61 = arith.extui %lt3A_60 : i1 to i32
      %cond3A_62 = arith.constant 0 : i32
      %cond3A_63 = arith.cmpi ne, %convert_element_type3A_61, %cond3A_62 : i32
      scf.if %cond3A_63 {
        %mul3A_70 = arith.constant 128 : i32
        %mul3A_71 = arith.muli %add3A_49, %mul3A_70 : i32
        %dma_start3A_72 = tpu.memref_slice %arg3[%mul3A_71] : memref<100000xi32, #tpu.memory_space<hbm>> -> memref<128xi32, #tpu.memory_space<hbm>>
        %dma_start3A_73 = tpu.memref_slice %arg3[%mul3A_71] : memref<100000xi32, #tpu.memory_space<hbm>> -> memref<128xi32, #tpu.memory_space<hbm>>
        tpu.enqueue_dma source(%dma_start3A_73 : memref<128xi32, #tpu.memory_space<hbm>>) target(%arg8 : memref<128xi32, #tpu.memory_space<vmem>>) target_semaphore(%arg14 : memref<!tpu.dma_semaphore, #tpu.memory_space<semaphore_mem>>)
        %dma_start3A_74 = arith.constant 0 : i32
        %dma_start3A_75 = tpu.memref_slice %arg2[%mul3A_71, %dma_start3A_74] : memref<100000x128xf32, #tpu.memory_space<hbm>> -> memref<128x128xf32, #tpu.memory_space<hbm>>
        %dma_start3A_76 = arith.constant 0 : i32
        %dma_start3A_77 = tpu.memref_slice %arg2[%mul3A_71, %dma_start3A_76] : memref<100000x128xf32, #tpu.memory_space<hbm>> -> memref<128x128xf32, #tpu.memory_space<hbm>>
        tpu.enqueue_dma source(%dma_start3A_77 : memref<128x128xf32, #tpu.memory_space<hbm>>) target(%arg6 : memref<128x128xf32, #tpu.memory_space<vmem>>) target_semaphore(%arg13 : memref<!tpu.dma_semaphore, #tpu.memory_space<semaphore_mem>>)
      } else {
      }
      %lt3A_64 = arith.constant 781 : i32
      %lt3A_65 = arith.cmpi slt, %add3A_47, %lt3A_64 : i32
      %convert_element_type3A_66 = arith.extui %lt3A_65 : i1 to i32
      %cond3A_67 = arith.constant 0 : i32
      %cond3A_68 = arith.cmpi ne, %convert_element_type3A_66, %cond3A_67 : i32
      scf.if %cond3A_68 {
        %dma_wait3A = arith.constant 0 : i32
        %dma_wait3A_70 = tpu.memref_slice %arg3[%dma_wait3A] : memref<100000xi32, #tpu.memory_space<hbm>> -> memref<128xi32, #tpu.memory_space<hbm>>
        %dma_wait3A_71 = arith.constant 0 : i32
        %dma_wait3A_72 = tpu.memref_slice %arg3[%dma_wait3A_71] : memref<100000xi32, #tpu.memory_space<hbm>> -> memref<128xi32, #tpu.memory_space<hbm>>
        tpu.wait_dma2 semaphore(%arg16 : memref<!tpu.dma_semaphore, #tpu.memory_space<semaphore_mem>>) src(%dma_wait3A_72 : memref<128xi32, #tpu.memory_space<hbm>>) dst(%arg9 : memref<128xi32, #tpu.memory_space<vmem>>)
        %dma_wait3A_73 = arith.constant 0 : i32
        %dma_wait3A_74 = arith.constant 0 : i32
        %dma_wait3A_75 = tpu.memref_slice %arg2[%dma_wait3A_73, %dma_wait3A_74] : memref<100000x128xf32, #tpu.memory_space<hbm>> -> memref<128x128xf32, #tpu.memory_space<hbm>>
        %dma_wait3A_76 = arith.constant 0 : i32
        %dma_wait3A_77 = arith.constant 0 : i32
        %dma_wait3A_78 = tpu.memref_slice %arg2[%dma_wait3A_76, %dma_wait3A_77] : memref<100000x128xf32, #tpu.memory_space<hbm>> -> memref<128x128xf32, #tpu.memory_space<hbm>>
        tpu.wait_dma2 semaphore(%arg15 : memref<!tpu.dma_semaphore, #tpu.memory_space<semaphore_mem>>) src(%dma_wait3A_78 : memref<128x128xf32, #tpu.memory_space<hbm>>) dst(%arg7 : memref<128x128xf32, #tpu.memory_space<vmem>>)
        %dma_start3A_79 = arith.constant 0 : i32
        %dma_start3A_80 = arith.constant 0 : i32
        %dma_start3A_81 = tpu.memref_slice %arg12[%dma_start3A_79, %dma_start3A_80] : memref<512x128xf32, #tpu.memory_space<vmem_shared>> -> memref<512x128xf32, #tpu.memory_space<vmem_shared>>
        tpu.enqueue_indirect_dma source(%arg7 : memref<128x128xf32, #tpu.memory_space<vmem>>) target(%dma_start3A_81 : memref<512x128xf32, #tpu.memory_space<vmem_shared>>) offsets(%arg9 : memref<128xi32, #tpu.memory_space<vmem>>) semaphore(%arg18 : memref<!tpu.dma_semaphore, #tpu.memory_space<semaphore_mem>>) {add = true}
        %scan3A_82 = arith.constant 0 : i32
        %scan3A_83 = arith.constant 0 : i32
        %scan3A_84 = arith.constant 8 : i32
        %scan3A_85 = arith.addi %scan3A_83, %scan3A_84 : i32
        %scan3A_86 = arith.constant 1 : i32
        %scan3A_87 = scf.for %scan3A_92 = %scan3A_83 to %scan3A_85 step %scan3A_86 iter_args(%scan3A_93 = %scan3A_82) -> (i32)  : i32 {
          %mul3A_94 = arith.constant 16 : i32
          %mul3A_95 = arith.muli %scan3A_92, %mul3A_94 : i32
          %get3A = arith.index_cast %mul3A_95 : i32 to index
          %get3A_96 = tpu.vector_load %arg9[%get3A] {strides = array<i32>} : memref<128xi32, #tpu.memory_space<vmem>>, vector<16xi32>,
          %get3A_97 = vector.shape_cast %get3A_96 : vector<16xi32> to vector<16xi32>
          %slice3A = vector.extract_strided_slice %get3A_97 {offsets = [0], sizes = [1], strides = [1]} : vector<16xi32> to vector<1xi32>
          %squeeze3A = vector.extract %slice3A[0] : i32 from vector<1xi32>
          %swap3A = arith.index_cast %squeeze3A : i32 to index
          %swap3A_98 = arith.constant 0 : index
          %swap3A_99 = tpu.vector_load %arg11[%swap3A, %swap3A_98] {strides = array<i32>} : memref<512x16xf32, #tpu.memory_space<vmem>>, vector<1x16xf32>,
          %swap3A_100 = vector.shape_cast %swap3A_99 : vector<1x16xf32> to vector<16xf32>
          %swap3A_101 = vector.shape_cast %broadcast_in_dim3A_16 : vector<16xf32> to vector<1x16xf32>
          tpu.vector_store %arg11[%swap3A, %swap3A_98], %swap3A_101 {add = true, strides = array<i32>} : memref<512x16xf32, #tpu.memory_space<vmem>>, vector<1x16xf32>,
          %slice3A_102 = vector.extract_strided_slice %get3A_97 {offsets = [1], sizes = [1], strides = [1]} : vector<16xi32> to vector<1xi32>
          %squeeze3A_103 = vector.extract %slice3A_102[0] : i32 from vector<1xi32>
          %swap3A_104 = arith.index_cast %squeeze3A_103 : i32 to index
          %swap3A_105 = arith.constant 0 : index
          %swap3A_106 = tpu.vector_load %arg11[%swap3A_104, %swap3A_105] {strides = array<i32>} : memref<512x16xf32, #tpu.memory_space<vmem>>, vector<1x16xf32>,
          %swap3A_107 = vector.shape_cast %swap3A_106 : vector<1x16xf32> to vector<16xf32>
          %swap3A_108 = vector.shape_cast %broadcast_in_dim3A_16 : vector<16xf32> to vector<1x16xf32>
          tpu.vector_store %arg11[%swap3A_104, %swap3A_105], %swap3A_108 {add = true, strides = array<i32>} : memref<512x16xf32, #tpu.memory_space<vmem>>, vector<1x16xf32>,
          %slice3A_109 = vector.extract_strided_slice %get3A_97 {offsets = [2], sizes = [1], strides = [1]} : vector<16xi32> to vector<1xi32>
          %squeeze3A_110 = vector.extract %slice3A_109[0] : i32 from vector<1xi32>
          %swap3A_111 = arith.index_cast %squeeze3A_110 : i32 to index
          %swap3A_112 = arith.constant 0 : index
          %swap3A_113 = tpu.vector_load %arg11[%swap3A_111, %swap3A_112] {strides = array<i32>} : memref<512x16xf32, #tpu.memory_space<vmem>>, vector<1x16xf32>,
          %swap3A_114 = vector.shape_cast %swap3A_113 : vector<1x16xf32> to vector<16xf32>
          %swap3A_115 = vector.shape_cast %broadcast_in_dim3A_16 : vector<16xf32> to vector<1x16xf32>
          tpu.vector_store %arg11[%swap3A_111, %swap3A_112], %swap3A_115 {add = true, strides = array<i32>} : memref<512x16xf32, #tpu.memory_space<vmem>>, vector<1x16xf32>,
          %slice3A_116 = vector.extract_strided_slice %get3A_97 {offsets = [3], sizes = [1], strides = [1]} : vector<16xi32> to vector<1xi32>
          %squeeze3A_117 = vector.extract %slice3A_116[0] : i32 from vector<1xi32>
          %swap3A_118 = arith.index_cast %squeeze3A_117 : i32 to index
          %swap3A_119 = arith.constant 0 : index
          %swap3A_120 = tpu.vector_load %arg11[%swap3A_118, %swap3A_119] {strides = array<i32>} : memref<512x16xf32, #tpu.memory_space<vmem>>, vector<1x16xf32>,
          %swap3A_121 = vector.shape_cast %swap3A_120 : vector<1x16xf32> to vector<16xf32>
          %swap3A_122 = vector.shape_cast %broadcast_in_dim3A_16 : vector<16xf32> to vector<1x16xf32>
          tpu.vector_store %arg11[%swap3A_118, %swap3A_119], %swap3A_122 {add = true, strides = array<i32>} : memref<512x16xf32, #tpu.memory_space<vmem>>, vector<1x16xf32>,
          %slice3A_123 = vector.extract_strided_slice %get3A_97 {offsets = [4], sizes = [1], strides = [1]} : vector<16xi32> to vector<1xi32>
          %squeeze3A_124 = vector.extract %slice3A_123[0] : i32 from vector<1xi32>
          %swap3A_125 = arith.index_cast %squeeze3A_124 : i32 to index
          %swap3A_126 = arith.constant 0 : index
          %swap3A_127 = tpu.vector_load %arg11[%swap3A_125, %swap3A_126] {strides = array<i32>} : memref<512x16xf32, #tpu.memory_space<vmem>>, vector<1x16xf32>,
          %swap3A_128 = vector.shape_cast %swap3A_127 : vector<1x16xf32> to vector<16xf32>
          %swap3A_129 = vector.shape_cast %broadcast_in_dim3A_16 : vector<16xf32> to vector<1x16xf32>
          tpu.vector_store %arg11[%swap3A_125, %swap3A_126], %swap3A_129 {add = true, strides = array<i32>} : memref<512x16xf32, #tpu.memory_space<vmem>>, vector<1x16xf32>,
          %slice3A_130 = vector.extract_strided_slice %get3A_97 {offsets = [5], sizes = [1], strides = [1]} : vector<16xi32> to vector<1xi32>
          %squeeze3A_131 = vector.extract %slice3A_130[0] : i32 from vector<1xi32>
          %swap3A_132 = arith.index_cast %squeeze3A_131 : i32 to index
          %swap3A_133 = arith.constant 0 : index
          %swap3A_134 = tpu.vector_load %arg11[%swap3A_132, %swap3A_133] {strides = array<i32>} : memref<512x16xf32, #tpu.memory_space<vmem>>, vector<1x16xf32>,
          %swap3A_135 = vector.shape_cast %swap3A_134 : vector<1x16xf32> to vector<16xf32>
          %swap3A_136 = vector.shape_cast %broadcast_in_dim3A_16 : vector<16xf32> to vector<1x16xf32>
          tpu.vector_store %arg11[%swap3A_132, %swap3A_133], %swap3A_136 {add = true, strides = array<i32>} : memref<512x16xf32, #tpu.memory_space<vmem>>, vector<1x16xf32>,
          %slice3A_137 = vector.extract_strided_slice %get3A_97 {offsets = [6], sizes = [1], strides = [1]} : vector<16xi32> to vector<1xi32>
          %squeeze3A_138 = vector.extract %slice3A_137[0] : i32 from vector<1xi32>
          %swap3A_139 = arith.index_cast %squeeze3A_138 : i32 to index
          %swap3A_140 = arith.constant 0 : index
          %swap3A_141 = tpu.vector_load %arg11[%swap3A_139, %swap3A_140] {strides = array<i32>} : memref<512x16xf32, #tpu.memory_space<vmem>>, vector<1x16xf32>,
          %swap3A_142 = vector.shape_cast %swap3A_141 : vector<1x16xf32> to vector<16xf32>
          %swap3A_143 = vector.shape_cast %broadcast_in_dim3A_16 : vector<16xf32> to vector<1x16xf32>
          tpu.vector_store %arg11[%swap3A_139, %swap3A_140], %swap3A_143 {add = true, strides = array<i32>} : memref<512x16xf32, #tpu.memory_space<vmem>>, vector<1x16xf32>,
          %slice3A_144 = vector.extract_strided_slice %get3A_97 {offsets = [7], sizes = [1], strides = [1]} : vector<16xi32> to vector<1xi32>
          %squeeze3A_145 = vector.extract %slice3A_144[0] : i32 from vector<1xi32>
          %swap3A_146 = arith.index_cast %squeeze3A_145 : i32 to index
          %swap3A_147 = arith.constant 0 : index
          %swap3A_148 = tpu.vector_load %arg11[%swap3A_146, %swap3A_147] {strides = array<i32>} : memref<512x16xf32, #tpu.memory_space<vmem>>, vector<1x16xf32>,
          %swap3A_149 = vector.shape_cast %swap3A_148 : vector<1x16xf32> to vector<16xf32>
          %swap3A_150 = vector.shape_cast %broadcast_in_dim3A_16 : vector<16xf32> to vector<1x16xf32>
          tpu.vector_store %arg11[%swap3A_146, %swap3A_147], %swap3A_150 {add = true, strides = array<i32>} : memref<512x16xf32, #tpu.memory_space<vmem>>, vector<1x16xf32>,
          %slice3A_151 = vector.extract_strided_slice %get3A_97 {offsets = [8], sizes = [1], strides = [1]} : vector<16xi32> to vector<1xi32>
          %squeeze3A_152 = vector.extract %slice3A_151[0] : i32 from vector<1xi32>
          %swap3A_153 = arith.index_cast %squeeze3A_152 : i32 to index
          %swap3A_154 = arith.constant 0 : index
          %swap3A_155 = tpu.vector_load %arg11[%swap3A_153, %swap3A_154] {strides = array<i32>} : memref<512x16xf32, #tpu.memory_space<vmem>>, vector<1x16xf32>,
          %swap3A_156 = vector.shape_cast %swap3A_155 : vector<1x16xf32> to vector<16xf32>
          %swap3A_157 = vector.shape_cast %broadcast_in_dim3A_16 : vector<16xf32> to vector<1x16xf32>
          tpu.vector_store %arg11[%swap3A_153, %swap3A_154], %swap3A_157 {add = true, strides = array<i32>} : memref<512x16xf32, #tpu.memory_space<vmem>>, vector<1x16xf32>,
          %slice3A_158 = vector.extract_strided_slice %get3A_97 {offsets = [9], sizes = [1], strides = [1]} : vector<16xi32> to vector<1xi32>
          %squeeze3A_159 = vector.extract %slice3A_158[0] : i32 from vector<1xi32>
          %swap3A_160 = arith.index_cast %squeeze3A_159 : i32 to index
          %swap3A_161 = arith.constant 0 : index
          %swap3A_162 = tpu.vector_load %arg11[%swap3A_160, %swap3A_161] {strides = array<i32>} : memref<512x16xf32, #tpu.memory_space<vmem>>, vector<1x16xf32>,
          %swap3A_163 = vector.shape_cast %swap3A_162 : vector<1x16xf32> to vector<16xf32>
          %swap3A_164 = vector.shape_cast %broadcast_in_dim3A_16 : vector<16xf32> to vector<1x16xf32>
          tpu.vector_store %arg11[%swap3A_160, %swap3A_161], %swap3A_164 {add = true, strides = array<i32>} : memref<512x16xf32, #tpu.memory_space<vmem>>, vector<1x16xf32>,
          %slice3A_165 = vector.extract_strided_slice %get3A_97 {offsets = [10], sizes = [1], strides = [1]} : vector<16xi32> to vector<1xi32>
          %squeeze3A_166 = vector.extract %slice3A_165[0] : i32 from vector<1xi32>
          %swap3A_167 = arith.index_cast %squeeze3A_166 : i32 to index
          %swap3A_168 = arith.constant 0 : index
          %swap3A_169 = tpu.vector_load %arg11[%swap3A_167, %swap3A_168] {strides = array<i32>} : memref<512x16xf32, #tpu.memory_space<vmem>>, vector<1x16xf32>,
          %swap3A_170 = vector.shape_cast %swap3A_169 : vector<1x16xf32> to vector<16xf32>
          %swap3A_171 = vector.shape_cast %broadcast_in_dim3A_16 : vector<16xf32> to vector<1x16xf32>
          tpu.vector_store %arg11[%swap3A_167, %swap3A_168], %swap3A_171 {add = true, strides = array<i32>} : memref<512x16xf32, #tpu.memory_space<vmem>>, vector<1x16xf32>,
          %slice3A_172 = vector.extract_strided_slice %get3A_97 {offsets = [11], sizes = [1], strides = [1]} : vector<16xi32> to vector<1xi32>
          %squeeze3A_173 = vector.extract %slice3A_172[0] : i32 from vector<1xi32>
          %swap3A_174 = arith.index_cast %squeeze3A_173 : i32 to index
          %swap3A_175 = arith.constant 0 : index
          %swap3A_176 = tpu.vector_load %arg11[%swap3A_174, %swap3A_175] {strides = array<i32>} : memref<512x16xf32, #tpu.memory_space<vmem>>, vector<1x16xf32>,
          %swap3A_177 = vector.shape_cast %swap3A_176 : vector<1x16xf32> to vector<16xf32>
          %swap3A_178 = vector.shape_cast %broadcast_in_dim3A_16 : vector<16xf32> to vector<1x16xf32>
          tpu.vector_store %arg11[%swap3A_174, %swap3A_175], %swap3A_178 {add = true, strides = array<i32>} : memref<512x16xf32, #tpu.memory_space<vmem>>, vector<1x16xf32>,
          %slice3A_179 = vector.extract_strided_slice %get3A_97 {offsets = [12], sizes = [1], strides = [1]} : vector<16xi32> to vector<1xi32>
          %squeeze3A_180 = vector.extract %slice3A_179[0] : i32 from vector<1xi32>
          %swap3A_181 = arith.index_cast %squeeze3A_180 : i32 to index
          %swap3A_182 = arith.constant 0 : index
          %swap3A_183 = tpu.vector_load %arg11[%swap3A_181, %swap3A_182] {strides = array<i32>} : memref<512x16xf32, #tpu.memory_space<vmem>>, vector<1x16xf32>,
          %swap3A_184 = vector.shape_cast %swap3A_183 : vector<1x16xf32> to vector<16xf32>
          %swap3A_185 = vector.shape_cast %broadcast_in_dim3A_16 : vector<16xf32> to vector<1x16xf32>
          tpu.vector_store %arg11[%swap3A_181, %swap3A_182], %swap3A_185 {add = true, strides = array<i32>} : memref<512x16xf32, #tpu.memory_space<vmem>>, vector<1x16xf32>,
          %slice3A_186 = vector.extract_strided_slice %get3A_97 {offsets = [13], sizes = [1], strides = [1]} : vector<16xi32> to vector<1xi32>
          %squeeze3A_187 = vector.extract %slice3A_186[0] : i32 from vector<1xi32>
          %swap3A_188 = arith.index_cast %squeeze3A_187 : i32 to index
          %swap3A_189 = arith.constant 0 : index
          %swap3A_190 = tpu.vector_load %arg11[%swap3A_188, %swap3A_189] {strides = array<i32>} : memref<512x16xf32, #tpu.memory_space<vmem>>, vector<1x16xf32>,
          %swap3A_191 = vector.shape_cast %swap3A_190 : vector<1x16xf32> to vector<16xf32>
          %swap3A_192 = vector.shape_cast %broadcast_in_dim3A_16 : vector<16xf32> to vector<1x16xf32>
          tpu.vector_store %arg11[%swap3A_188, %swap3A_189], %swap3A_192 {add = true, strides = array<i32>} : memref<512x16xf32, #tpu.memory_space<vmem>>, vector<1x16xf32>,
          %slice3A_193 = vector.extract_strided_slice %get3A_97 {offsets = [14], sizes = [1], strides = [1]} : vector<16xi32> to vector<1xi32>
          %squeeze3A_194 = vector.extract %slice3A_193[0] : i32 from vector<1xi32>
          %swap3A_195 = arith.index_cast %squeeze3A_194 : i32 to index
          %swap3A_196 = arith.constant 0 : index
          %swap3A_197 = tpu.vector_load %arg11[%swap3A_195, %swap3A_196] {strides = array<i32>} : memref<512x16xf32, #tpu.memory_space<vmem>>, vector<1x16xf32>,
          %swap3A_198 = vector.shape_cast %swap3A_197 : vector<1x16xf32> to vector<16xf32>
          %swap3A_199 = vector.shape_cast %broadcast_in_dim3A_16 : vector<16xf32> to vector<1x16xf32>
          tpu.vector_store %arg11[%swap3A_195, %swap3A_196], %swap3A_199 {add = true, strides = array<i32>} : memref<512x16xf32, #tpu.memory_space<vmem>>, vector<1x16xf32>,
          %slice3A_200 = vector.extract_strided_slice %get3A_97 {offsets = [15], sizes = [1], strides = [1]} : vector<16xi32> to vector<1xi32>
          %squeeze3A_201 = vector.extract %slice3A_200[0] : i32 from vector<1xi32>
          %swap3A_202 = arith.index_cast %squeeze3A_201 : i32 to index
          %swap3A_203 = arith.constant 0 : index
          %swap3A_204 = tpu.vector_load %arg11[%swap3A_202, %swap3A_203] {strides = array<i32>} : memref<512x16xf32, #tpu.memory_space<vmem>>, vector<1x16xf32>,
          %swap3A_205 = vector.shape_cast %swap3A_204 : vector<1x16xf32> to vector<16xf32>
          %swap3A_206 = vector.shape_cast %broadcast_in_dim3A_16 : vector<16xf32> to vector<1x16xf32>
          tpu.vector_store %arg11[%swap3A_202, %swap3A_203], %swap3A_206 {add = true, strides = array<i32>} : memref<512x16xf32, #tpu.memory_space<vmem>>, vector<1x16xf32>,
          %scan3A_207 = arith.constant 0 : i32
          scf.yield %scan3A_207 : i32
        }
        %scan3A_88 = arith.constant 8 : i32
        %dma_wait3A_89 = arith.constant 0 : i32
        %dma_wait3A_90 = arith.constant 0 : i32
        %dma_wait3A_91 = tpu.memref_slice %arg12[%dma_wait3A_89, %dma_wait3A_90] : memref<512x128xf32, #tpu.memory_space<vmem_shared>> -> memref<512x128xf32, #tpu.memory_space<vmem_shared>>
        tpu.wait_indirect_dma semaphore(%arg18 : memref<!tpu.dma_semaphore, #tpu.memory_space<semaphore_mem>>) src(%arg7 : memref<128x128xf32, #tpu.memory_space<vmem>>) dst(%dma_wait3A_91 : memref<512x128xf32, #tpu.memory_space<vmem_shared>>)
      } else {
      }
      %scan3A_69 = arith.constant 0 : i32
      scf.yield %scan3A_69 : i32
    }
    %scan3A_30 = arith.constant 13 : i32
    %eq3A = arith.constant 13 : i32
    %eq3A_31 = arith.cmpi eq, %add3A, %eq3A : i32
    %convert_element_type3A = arith.extui %eq3A_31 : i1 to i32
    %cond3A = arith.constant 0 : i32
    %cond3A_32 = arith.cmpi ne, %convert_element_type3A, %cond3A : i32
    scf.if %cond3A_32 {
      %dma_start3A_39 = arith.constant 99968 : i32
      %dma_start3A_40 = tpu.memref_slice %arg3[%dma_start3A_39] : memref<100000xi32, #tpu.memory_space<hbm>> -> memref<32xi32, #tpu.memory_space<hbm>>
      %dma_start3A_41 = arith.constant 99968 : i32
      %dma_start3A_42 = tpu.memref_slice %arg3[%dma_start3A_41] : memref<100000xi32, #tpu.memory_space<hbm>> -> memref<32xi32, #tpu.memory_space<hbm>>
      tpu.enqueue_dma source(%dma_start3A_42 : memref<32xi32, #tpu.memory_space<hbm>>) target(%arg10 : memref<32xi32, #tpu.memory_space<vmem>>) target_semaphore(%arg14 : memref<!tpu.dma_semaphore, #tpu.memory_space<semaphore_mem>>)
      %dma_wait3A = arith.constant 99968 : i32
      %dma_wait3A_43 = tpu.memref_slice %arg3[%dma_wait3A] : memref<100000xi32, #tpu.memory_space<hbm>> -> memref<32xi32, #tpu.memory_space<hbm>>
      %dma_wait3A_44 = arith.constant 99968 : i32
      %dma_wait3A_45 = tpu.memref_slice %arg3[%dma_wait3A_44] : memref<100000xi32, #tpu.memory_space<hbm>> -> memref<32xi32, #tpu.memory_space<hbm>>
      tpu.wait_dma2 semaphore(%arg14 : memref<!tpu.dma_semaphore, #tpu.memory_space<semaphore_mem>>) src(%dma_wait3A_45 : memref<32xi32, #tpu.memory_space<hbm>>) dst(%arg10 : memref<32xi32, #tpu.memory_space<vmem>>)
      %dma_start3A_46 = arith.constant 0 : i32
      %dma_start3A_47 = arith.constant 0 : i32
      %dma_start3A_48 = tpu.memref_slice %arg6[%dma_start3A_46, %dma_start3A_47] : memref<128x128xf32, #tpu.memory_space<vmem>> -> memref<32x128xf32, #tpu.memory_space<vmem>>
      %dma_start3A_49 = arith.constant 99968 : i32
      %dma_start3A_50 = arith.constant 0 : i32
      %dma_start3A_51 = tpu.memref_slice %arg2[%dma_start3A_49, %dma_start3A_50] : memref<100000x128xf32, #tpu.memory_space<hbm>> -> memref<32x128xf32, #tpu.memory_space<hbm>>
      %dma_start3A_52 = arith.constant 0 : i32
      %dma_start3A_53 = arith.constant 0 : i32
      %dma_start3A_54 = tpu.memref_slice %arg6[%dma_start3A_52, %dma_start3A_53] : memref<128x128xf32, #tpu.memory_space<vmem>> -> memref<32x128xf32, #tpu.memory_space<vmem>>
      %dma_start3A_55 = arith.constant 99968 : i32
      %dma_start3A_56 = arith.constant 0 : i32
      %dma_start3A_57 = tpu.memref_slice %arg2[%dma_start3A_55, %dma_start3A_56] : memref<100000x128xf32, #tpu.memory_space<hbm>> -> memref<32x128xf32, #tpu.memory_space<hbm>>
      tpu.enqueue_dma source(%dma_start3A_57 : memref<32x128xf32, #tpu.memory_space<hbm>>) target(%dma_start3A_54 : memref<32x128xf32, #tpu.memory_space<vmem>>) target_semaphore(%arg13 : memref<!tpu.dma_semaphore, #tpu.memory_space<semaphore_mem>>)
      %dma_wait3A_58 = arith.constant 0 : i32
      %dma_wait3A_59 = arith.constant 0 : i32
      %dma_wait3A_60 = tpu.memref_slice %arg6[%dma_wait3A_58, %dma_wait3A_59] : memref<128x128xf32, #tpu.memory_space<vmem>> -> memref<32x128xf32, #tpu.memory_space<vmem>>
      %dma_wait3A_61 = arith.constant 99968 : i32
      %dma_wait3A_62 = arith.constant 0 : i32
      %dma_wait3A_63 = tpu.memref_slice %arg2[%dma_wait3A_61, %dma_wait3A_62] : memref<100000x128xf32, #tpu.memory_space<hbm>> -> memref<32x128xf32, #tpu.memory_space<hbm>>
      %dma_wait3A_64 = arith.constant 0 : i32
      %dma_wait3A_65 = arith.constant 0 : i32
      %dma_wait3A_66 = tpu.memref_slice %arg6[%dma_wait3A_64, %dma_wait3A_65] : memref<128x128xf32, #tpu.memory_space<vmem>> -> memref<32x128xf32, #tpu.memory_space<vmem>>
      %dma_wait3A_67 = arith.constant 99968 : i32
      %dma_wait3A_68 = arith.constant 0 : i32
      %dma_wait3A_69 = tpu.memref_slice %arg2[%dma_wait3A_67, %dma_wait3A_68] : memref<100000x128xf32, #tpu.memory_space<hbm>> -> memref<32x128xf32, #tpu.memory_space<hbm>>
      tpu.wait_dma2 semaphore(%arg13 : memref<!tpu.dma_semaphore, #tpu.memory_space<semaphore_mem>>) src(%dma_wait3A_69 : memref<32x128xf32, #tpu.memory_space<hbm>>) dst(%dma_wait3A_66 : memref<32x128xf32, #tpu.memory_space<vmem>>)
      %dma_start3A_70 = arith.constant 0 : i32
      %dma_start3A_71 = arith.constant 0 : i32
      %dma_start3A_72 = tpu.memref_slice %arg6[%dma_start3A_70, %dma_start3A_71] : memref<128x128xf32, #tpu.memory_space<vmem>> -> memref<32x128xf32, #tpu.memory_space<vmem>>
      %dma_start3A_73 = arith.constant 0 : i32
      %dma_start3A_74 = arith.constant 0 : i32
      %dma_start3A_75 = tpu.memref_slice %arg12[%dma_start3A_73, %dma_start3A_74] : memref<512x128xf32, #tpu.memory_space<vmem_shared>> -> memref<512x128xf32, #tpu.memory_space<vmem_shared>>
      tpu.enqueue_indirect_dma source(%dma_start3A_72 : memref<32x128xf32, #tpu.memory_space<vmem>>) target(%dma_start3A_75 : memref<512x128xf32, #tpu.memory_space<vmem_shared>>) offsets(%arg10 : memref<32xi32, #tpu.memory_space<vmem>>) semaphore(%arg17 : memref<!tpu.dma_semaphore, #tpu.memory_space<semaphore_mem>>) {add = true}
      %scan3A_76 = arith.constant 0 : i32
      %scan3A_77 = arith.constant 0 : i32
      %scan3A_78 = arith.constant 2 : i32
      %scan3A_79 = arith.addi %scan3A_77, %scan3A_78 : i32
      %scan3A_80 = arith.constant 1 : i32
      %scan3A_81 = scf.for %scan3A_89 = %scan3A_77 to %scan3A_79 step %scan3A_80 iter_args(%scan3A_90 = %scan3A_76) -> (i32)  : i32 {
        %mul3A_91 = arith.constant 16 : i32
        %mul3A_92 = arith.muli %scan3A_89, %mul3A_91 : i32
        %get3A = arith.index_cast %mul3A_92 : i32 to index
        %get3A_93 = tpu.vector_load %arg10[%get3A] {strides = array<i32>} : memref<32xi32, #tpu.memory_space<vmem>>, vector<16xi32>,
        %get3A_94 = vector.shape_cast %get3A_93 : vector<16xi32> to vector<16xi32>
        %slice3A = vector.extract_strided_slice %get3A_94 {offsets = [0], sizes = [1], strides = [1]} : vector<16xi32> to vector<1xi32>
        %squeeze3A = vector.extract %slice3A[0] : i32 from vector<1xi32>
        %swap3A = arith.index_cast %squeeze3A : i32 to index
        %swap3A_95 = arith.constant 0 : index
        %swap3A_96 = tpu.vector_load %arg11[%swap3A, %swap3A_95] {strides = array<i32>} : memref<512x16xf32, #tpu.memory_space<vmem>>, vector<1x16xf32>,
        %swap3A_97 = vector.shape_cast %swap3A_96 : vector<1x16xf32> to vector<16xf32>
        %swap3A_98 = vector.shape_cast %broadcast_in_dim3A_16 : vector<16xf32> to vector<1x16xf32>
        tpu.vector_store %arg11[%swap3A, %swap3A_95], %swap3A_98 {add = true, strides = array<i32>} : memref<512x16xf32, #tpu.memory_space<vmem>>, vector<1x16xf32>,
        %slice3A_99 = vector.extract_strided_slice %get3A_94 {offsets = [1], sizes = [1], strides = [1]} : vector<16xi32> to vector<1xi32>
        %squeeze3A_100 = vector.extract %slice3A_99[0] : i32 from vector<1xi32>
        %swap3A_101 = arith.index_cast %squeeze3A_100 : i32 to index
        %swap3A_102 = arith.constant 0 : index
        %swap3A_103 = tpu.vector_load %arg11[%swap3A_101, %swap3A_102] {strides = array<i32>} : memref<512x16xf32, #tpu.memory_space<vmem>>, vector<1x16xf32>,
        %swap3A_104 = vector.shape_cast %swap3A_103 : vector<1x16xf32> to vector<16xf32>
        %swap3A_105 = vector.shape_cast %broadcast_in_dim3A_16 : vector<16xf32> to vector<1x16xf32>
        tpu.vector_store %arg11[%swap3A_101, %swap3A_102], %swap3A_105 {add = true, strides = array<i32>} : memref<512x16xf32, #tpu.memory_space<vmem>>, vector<1x16xf32>,
        %slice3A_106 = vector.extract_strided_slice %get3A_94 {offsets = [2], sizes = [1], strides = [1]} : vector<16xi32> to vector<1xi32>
        %squeeze3A_107 = vector.extract %slice3A_106[0] : i32 from vector<1xi32>
        %swap3A_108 = arith.index_cast %squeeze3A_107 : i32 to index
        %swap3A_109 = arith.constant 0 : index
        %swap3A_110 = tpu.vector_load %arg11[%swap3A_108, %swap3A_109] {strides = array<i32>} : memref<512x16xf32, #tpu.memory_space<vmem>>, vector<1x16xf32>,
        %swap3A_111 = vector.shape_cast %swap3A_110 : vector<1x16xf32> to vector<16xf32>
        %swap3A_112 = vector.shape_cast %broadcast_in_dim3A_16 : vector<16xf32> to vector<1x16xf32>
        tpu.vector_store %arg11[%swap3A_108, %swap3A_109], %swap3A_112 {add = true, strides = array<i32>} : memref<512x16xf32, #tpu.memory_space<vmem>>, vector<1x16xf32>,
        %slice3A_113 = vector.extract_strided_slice %get3A_94 {offsets = [3], sizes = [1], strides = [1]} : vector<16xi32> to vector<1xi32>
        %squeeze3A_114 = vector.extract %slice3A_113[0] : i32 from vector<1xi32>
        %swap3A_115 = arith.index_cast %squeeze3A_114 : i32 to index
        %swap3A_116 = arith.constant 0 : index
        %swap3A_117 = tpu.vector_load %arg11[%swap3A_115, %swap3A_116] {strides = array<i32>} : memref<512x16xf32, #tpu.memory_space<vmem>>, vector<1x16xf32>,
        %swap3A_118 = vector.shape_cast %swap3A_117 : vector<1x16xf32> to vector<16xf32>
        %swap3A_119 = vector.shape_cast %broadcast_in_dim3A_16 : vector<16xf32> to vector<1x16xf32>
        tpu.vector_store %arg11[%swap3A_115, %swap3A_116], %swap3A_119 {add = true, strides = array<i32>} : memref<512x16xf32, #tpu.memory_space<vmem>>, vector<1x16xf32>,
        %slice3A_120 = vector.extract_strided_slice %get3A_94 {offsets = [4], sizes = [1], strides = [1]} : vector<16xi32> to vector<1xi32>
        %squeeze3A_121 = vector.extract %slice3A_120[0] : i32 from vector<1xi32>
        %swap3A_122 = arith.index_cast %squeeze3A_121 : i32 to index
        %swap3A_123 = arith.constant 0 : index
        %swap3A_124 = tpu.vector_load %arg11[%swap3A_122, %swap3A_123] {strides = array<i32>} : memref<512x16xf32, #tpu.memory_space<vmem>>, vector<1x16xf32>,
        %swap3A_125 = vector.shape_cast %swap3A_124 : vector<1x16xf32> to vector<16xf32>
        %swap3A_126 = vector.shape_cast %broadcast_in_dim3A_16 : vector<16xf32> to vector<1x16xf32>
        tpu.vector_store %arg11[%swap3A_122, %swap3A_123], %swap3A_126 {add = true, strides = array<i32>} : memref<512x16xf32, #tpu.memory_space<vmem>>, vector<1x16xf32>,
        %slice3A_127 = vector.extract_strided_slice %get3A_94 {offsets = [5], sizes = [1], strides = [1]} : vector<16xi32> to vector<1xi32>
        %squeeze3A_128 = vector.extract %slice3A_127[0] : i32 from vector<1xi32>
        %swap3A_129 = arith.index_cast %squeeze3A_128 : i32 to index
        %swap3A_130 = arith.constant 0 : index
        %swap3A_131 = tpu.vector_load %arg11[%swap3A_129, %swap3A_130] {strides = array<i32>} : memref<512x16xf32, #tpu.memory_space<vmem>>, vector<1x16xf32>,
        %swap3A_132 = vector.shape_cast %swap3A_131 : vector<1x16xf32> to vector<16xf32>
        %swap3A_133 = vector.shape_cast %broadcast_in_dim3A_16 : vector<16xf32> to vector<1x16xf32>
        tpu.vector_store %arg11[%swap3A_129, %swap3A_130], %swap3A_133 {add = true, strides = array<i32>} : memref<512x16xf32, #tpu.memory_space<vmem>>, vector<1x16xf32>,
        %slice3A_134 = vector.extract_strided_slice %get3A_94 {offsets = [6], sizes = [1], strides = [1]} : vector<16xi32> to vector<1xi32>
        %squeeze3A_135 = vector.extract %slice3A_134[0] : i32 from vector<1xi32>
        %swap3A_136 = arith.index_cast %squeeze3A_135 : i32 to index
        %swap3A_137 = arith.constant 0 : index
        %swap3A_138 = tpu.vector_load %arg11[%swap3A_136, %swap3A_137] {strides = array<i32>} : memref<512x16xf32, #tpu.memory_space<vmem>>, vector<1x16xf32>,
        %swap3A_139 = vector.shape_cast %swap3A_138 : vector<1x16xf32> to vector<16xf32>
        %swap3A_140 = vector.shape_cast %broadcast_in_dim3A_16 : vector<16xf32> to vector<1x16xf32>
        tpu.vector_store %arg11[%swap3A_136, %swap3A_137], %swap3A_140 {add = true, strides = array<i32>} : memref<512x16xf32, #tpu.memory_space<vmem>>, vector<1x16xf32>,
        %slice3A_141 = vector.extract_strided_slice %get3A_94 {offsets = [7], sizes = [1], strides = [1]} : vector<16xi32> to vector<1xi32>
        %squeeze3A_142 = vector.extract %slice3A_141[0] : i32 from vector<1xi32>
        %swap3A_143 = arith.index_cast %squeeze3A_142 : i32 to index
        %swap3A_144 = arith.constant 0 : index
        %swap3A_145 = tpu.vector_load %arg11[%swap3A_143, %swap3A_144] {strides = array<i32>} : memref<512x16xf32, #tpu.memory_space<vmem>>, vector<1x16xf32>,
        %swap3A_146 = vector.shape_cast %swap3A_145 : vector<1x16xf32> to vector<16xf32>
        %swap3A_147 = vector.shape_cast %broadcast_in_dim3A_16 : vector<16xf32> to vector<1x16xf32>
        tpu.vector_store %arg11[%swap3A_143, %swap3A_144], %swap3A_147 {add = true, strides = array<i32>} : memref<512x16xf32, #tpu.memory_space<vmem>>, vector<1x16xf32>,
        %slice3A_148 = vector.extract_strided_slice %get3A_94 {offsets = [8], sizes = [1], strides = [1]} : vector<16xi32> to vector<1xi32>
        %squeeze3A_149 = vector.extract %slice3A_148[0] : i32 from vector<1xi32>
        %swap3A_150 = arith.index_cast %squeeze3A_149 : i32 to index
        %swap3A_151 = arith.constant 0 : index
        %swap3A_152 = tpu.vector_load %arg11[%swap3A_150, %swap3A_151] {strides = array<i32>} : memref<512x16xf32, #tpu.memory_space<vmem>>, vector<1x16xf32>,
        %swap3A_153 = vector.shape_cast %swap3A_152 : vector<1x16xf32> to vector<16xf32>
        %swap3A_154 = vector.shape_cast %broadcast_in_dim3A_16 : vector<16xf32> to vector<1x16xf32>
        tpu.vector_store %arg11[%swap3A_150, %swap3A_151], %swap3A_154 {add = true, strides = array<i32>} : memref<512x16xf32, #tpu.memory_space<vmem>>, vector<1x16xf32>,
        %slice3A_155 = vector.extract_strided_slice %get3A_94 {offsets = [9], sizes = [1], strides = [1]} : vector<16xi32> to vector<1xi32>
        %squeeze3A_156 = vector.extract %slice3A_155[0] : i32 from vector<1xi32>
        %swap3A_157 = arith.index_cast %squeeze3A_156 : i32 to index
        %swap3A_158 = arith.constant 0 : index
        %swap3A_159 = tpu.vector_load %arg11[%swap3A_157, %swap3A_158] {strides = array<i32>} : memref<512x16xf32, #tpu.memory_space<vmem>>, vector<1x16xf32>,
        %swap3A_160 = vector.shape_cast %swap3A_159 : vector<1x16xf32> to vector<16xf32>
        %swap3A_161 = vector.shape_cast %broadcast_in_dim3A_16 : vector<16xf32> to vector<1x16xf32>
        tpu.vector_store %arg11[%swap3A_157, %swap3A_158], %swap3A_161 {add = true, strides = array<i32>} : memref<512x16xf32, #tpu.memory_space<vmem>>, vector<1x16xf32>,
        %slice3A_162 = vector.extract_strided_slice %get3A_94 {offsets = [10], sizes = [1], strides = [1]} : vector<16xi32> to vector<1xi32>
        %squeeze3A_163 = vector.extract %slice3A_162[0] : i32 from vector<1xi32>
        %swap3A_164 = arith.index_cast %squeeze3A_163 : i32 to index
        %swap3A_165 = arith.constant 0 : index
        %swap3A_166 = tpu.vector_load %arg11[%swap3A_164, %swap3A_165] {strides = array<i32>} : memref<512x16xf32, #tpu.memory_space<vmem>>, vector<1x16xf32>,
        %swap3A_167 = vector.shape_cast %swap3A_166 : vector<1x16xf32> to vector<16xf32>
        %swap3A_168 = vector.shape_cast %broadcast_in_dim3A_16 : vector<16xf32> to vector<1x16xf32>
        tpu.vector_store %arg11[%swap3A_164, %swap3A_165], %swap3A_168 {add = true, strides = array<i32>} : memref<512x16xf32, #tpu.memory_space<vmem>>, vector<1x16xf32>,
        %slice3A_169 = vector.extract_strided_slice %get3A_94 {offsets = [11], sizes = [1], strides = [1]} : vector<16xi32> to vector<1xi32>
        %squeeze3A_170 = vector.extract %slice3A_169[0] : i32 from vector<1xi32>
        %swap3A_171 = arith.index_cast %squeeze3A_170 : i32 to index
        %swap3A_172 = arith.constant 0 : index
        %swap3A_173 = tpu.vector_load %arg11[%swap3A_171, %swap3A_172] {strides = array<i32>} : memref<512x16xf32, #tpu.memory_space<vmem>>, vector<1x16xf32>,
        %swap3A_174 = vector.shape_cast %swap3A_173 : vector<1x16xf32> to vector<16xf32>
        %swap3A_175 = vector.shape_cast %broadcast_in_dim3A_16 : vector<16xf32> to vector<1x16xf32>
        tpu.vector_store %arg11[%swap3A_171, %swap3A_172], %swap3A_175 {add = true, strides = array<i32>} : memref<512x16xf32, #tpu.memory_space<vmem>>, vector<1x16xf32>,
        %slice3A_176 = vector.extract_strided_slice %get3A_94 {offsets = [12], sizes = [1], strides = [1]} : vector<16xi32> to vector<1xi32>
        %squeeze3A_177 = vector.extract %slice3A_176[0] : i32 from vector<1xi32>
        %swap3A_178 = arith.index_cast %squeeze3A_177 : i32 to index
        %swap3A_179 = arith.constant 0 : index
        %swap3A_180 = tpu.vector_load %arg11[%swap3A_178, %swap3A_179] {strides = array<i32>} : memref<512x16xf32, #tpu.memory_space<vmem>>, vector<1x16xf32>,
        %swap3A_181 = vector.shape_cast %swap3A_180 : vector<1x16xf32> to vector<16xf32>
        %swap3A_182 = vector.shape_cast %broadcast_in_dim3A_16 : vector<16xf32> to vector<1x16xf32>
        tpu.vector_store %arg11[%swap3A_178, %swap3A_179], %swap3A_182 {add = true, strides = array<i32>} : memref<512x16xf32, #tpu.memory_space<vmem>>, vector<1x16xf32>,
        %slice3A_183 = vector.extract_strided_slice %get3A_94 {offsets = [13], sizes = [1], strides = [1]} : vector<16xi32> to vector<1xi32>
        %squeeze3A_184 = vector.extract %slice3A_183[0] : i32 from vector<1xi32>
        %swap3A_185 = arith.index_cast %squeeze3A_184 : i32 to index
        %swap3A_186 = arith.constant 0 : index
        %swap3A_187 = tpu.vector_load %arg11[%swap3A_185, %swap3A_186] {strides = array<i32>} : memref<512x16xf32, #tpu.memory_space<vmem>>, vector<1x16xf32>,
        %swap3A_188 = vector.shape_cast %swap3A_187 : vector<1x16xf32> to vector<16xf32>
        %swap3A_189 = vector.shape_cast %broadcast_in_dim3A_16 : vector<16xf32> to vector<1x16xf32>
        tpu.vector_store %arg11[%swap3A_185, %swap3A_186], %swap3A_189 {add = true, strides = array<i32>} : memref<512x16xf32, #tpu.memory_space<vmem>>, vector<1x16xf32>,
        %slice3A_190 = vector.extract_strided_slice %get3A_94 {offsets = [14], sizes = [1], strides = [1]} : vector<16xi32> to vector<1xi32>
        %squeeze3A_191 = vector.extract %slice3A_190[0] : i32 from vector<1xi32>
        %swap3A_192 = arith.index_cast %squeeze3A_191 : i32 to index
        %swap3A_193 = arith.constant 0 : index
        %swap3A_194 = tpu.vector_load %arg11[%swap3A_192, %swap3A_193] {strides = array<i32>} : memref<512x16xf32, #tpu.memory_space<vmem>>, vector<1x16xf32>,
        %swap3A_195 = vector.shape_cast %swap3A_194 : vector<1x16xf32> to vector<16xf32>
        %swap3A_196 = vector.shape_cast %broadcast_in_dim3A_16 : vector<16xf32> to vector<1x16xf32>
        tpu.vector_store %arg11[%swap3A_192, %swap3A_193], %swap3A_196 {add = true, strides = array<i32>} : memref<512x16xf32, #tpu.memory_space<vmem>>, vector<1x16xf32>,
        %slice3A_197 = vector.extract_strided_slice %get3A_94 {offsets = [15], sizes = [1], strides = [1]} : vector<16xi32> to vector<1xi32>
        %squeeze3A_198 = vector.extract %slice3A_197[0] : i32 from vector<1xi32>
        %swap3A_199 = arith.index_cast %squeeze3A_198 : i32 to index
        %swap3A_200 = arith.constant 0 : index
        %swap3A_201 = tpu.vector_load %arg11[%swap3A_199, %swap3A_200] {strides = array<i32>} : memref<512x16xf32, #tpu.memory_space<vmem>>, vector<1x16xf32>,
        %swap3A_202 = vector.shape_cast %swap3A_201 : vector<1x16xf32> to vector<16xf32>
        %swap3A_203 = vector.shape_cast %broadcast_in_dim3A_16 : vector<16xf32> to vector<1x16xf32>
        tpu.vector_store %arg11[%swap3A_199, %swap3A_200], %swap3A_203 {add = true, strides = array<i32>} : memref<512x16xf32, #tpu.memory_space<vmem>>, vector<1x16xf32>,
        %scan3A_204 = arith.constant 0 : i32
        scf.yield %scan3A_204 : i32
      }
      %scan3A_82 = arith.constant 2 : i32
      %dma_wait3A_83 = arith.constant 0 : i32
      %dma_wait3A_84 = arith.constant 0 : i32
      %dma_wait3A_85 = tpu.memref_slice %arg6[%dma_wait3A_83, %dma_wait3A_84] : memref<128x128xf32, #tpu.memory_space<vmem>> -> memref<32x128xf32, #tpu.memory_space<vmem>>
      %dma_wait3A_86 = arith.constant 0 : i32
      %dma_wait3A_87 = arith.constant 0 : i32
      %dma_wait3A_88 = tpu.memref_slice %arg12[%dma_wait3A_86, %dma_wait3A_87] : memref<512x128xf32, #tpu.memory_space<vmem_shared>> -> memref<512x128xf32, #tpu.memory_space<vmem_shared>>
      tpu.wait_indirect_dma semaphore(%arg17 : memref<!tpu.dma_semaphore, #tpu.memory_space<semaphore_mem>>) src(%dma_wait3A_85 : memref<32x128xf32, #tpu.memory_space<vmem>>) dst(%dma_wait3A_88 : memref<512x128xf32, #tpu.memory_space<vmem_shared>>)
    } else {
    }
    "tpu.region"() ({
      %run_scoped3A = tpu.sem_alloc : memref<!tpu.dma_semaphore, #tpu.memory_space<semaphore_mem>>
      %dma_start3A_39 = arith.constant 0 : i32
      %dma_start3A_40 = arith.constant 0 : i32
      %dma_start3A_41 = tpu.memref_slice %arg5[%add3A, %dma_start3A_39, %dma_start3A_40] : memref<32x512x16xf32, #tpu.memory_space<hbm>> -> memref<1x512x16xf32, #tpu.memory_space<hbm>>
      %dma_start3A_42 = tpu.memref_squeeze %dma_start3A_41 : memref<1x512x16xf32, #tpu.memory_space<hbm>> -> memref<512x16xf32, #tpu.memory_space<hbm>>
      %dma_start3A_43 = arith.constant 0 : i32
      %dma_start3A_44 = arith.constant 0 : i32
      %dma_start3A_45 = tpu.memref_slice %arg5[%add3A, %dma_start3A_43, %dma_start3A_44] : memref<32x512x16xf32, #tpu.memory_space<hbm>> -> memref<1x512x16xf32, #tpu.memory_space<hbm>>
      %dma_start3A_46 = tpu.memref_squeeze %dma_start3A_45 : memref<1x512x16xf32, #tpu.memory_space<hbm>> -> memref<512x16xf32, #tpu.memory_space<hbm>>
      tpu.enqueue_dma source(%arg11 : memref<512x16xf32, #tpu.memory_space<vmem>>) target(%dma_start3A_46 : memref<512x16xf32, #tpu.memory_space<hbm>>) target_semaphore(%run_scoped3A : memref<!tpu.dma_semaphore, #tpu.memory_space<semaphore_mem>>)
      %dma_wait3A = arith.constant 0 : i32
      %dma_wait3A_47 = arith.constant 0 : i32
      %dma_wait3A_48 = tpu.memref_slice %arg5[%add3A, %dma_wait3A, %dma_wait3A_47] : memref<32x512x16xf32, #tpu.memory_space<hbm>> -> memref<1x512x16xf32, #tpu.memory_space<hbm>>
      %dma_wait3A_49 = tpu.memref_squeeze %dma_wait3A_48 : memref<1x512x16xf32, #tpu.memory_space<hbm>> -> memref<512x16xf32, #tpu.memory_space<hbm>>
      %dma_wait3A_50 = arith.constant 0 : i32
      %dma_wait3A_51 = arith.constant 0 : i32
      %dma_wait3A_52 = tpu.memref_slice %arg5[%add3A, %dma_wait3A_50, %dma_wait3A_51] : memref<32x512x16xf32, #tpu.memory_space<hbm>> -> memref<1x512x16xf32, #tpu.memory_space<hbm>>
      %dma_wait3A_53 = tpu.memref_squeeze %dma_wait3A_52 : memref<1x512x16xf32, #tpu.memory_space<hbm>> -> memref<512x16xf32, #tpu.memory_space<hbm>>
      tpu.wait_dma2 semaphore(%run_scoped3A : memref<!tpu.dma_semaphore, #tpu.memory_space<semaphore_mem>>) src(%arg11 : memref<512x16xf32, #tpu.memory_space<vmem>>) dst(%dma_wait3A_53 : memref<512x16xf32, #tpu.memory_space<hbm>>)
      tpu.yield
    }) : () -> ()
    %barrier3A_33 = arith.constant 0 : index
    tpu.barrier barrier_id(%barrier3A_33)
    %eq3A_34 = arith.constant 0 : i32
    %eq3A_35 = arith.cmpi eq, %arg1, %eq3A_34 : i32
    %convert_element_type3A_36 = arith.extui %eq3A_35 : i1 to i32
    %cond3A_37 = arith.constant 0 : i32
    %cond3A_38 = arith.cmpi ne, %convert_element_type3A_36, %cond3A_37 : i32
    scf.if %cond3A_38 {
      "tpu.region"() ({
        %run_scoped3A = tpu.sem_alloc : memref<!tpu.dma_semaphore, #tpu.memory_space<semaphore_mem>>
        %dma_start3A_39 = arith.constant 0 : i32
        %dma_start3A_40 = arith.constant 0 : i32
        %dma_start3A_41 = tpu.memref_slice %arg4[%arg0, %dma_start3A_39, %dma_start3A_40] : memref<2x512x128xf32, #tpu.memory_space<hbm>> -> memref<1x512x128xf32, #tpu.memory_space<hbm>>
        %dma_start3A_42 = tpu.memref_squeeze %dma_start3A_41 : memref<1x512x128xf32, #tpu.memory_space<hbm>> -> memref<512x128xf32, #tpu.memory_space<hbm>>
        tpu.enqueue_dma source(%arg12 : memref<512x128xf32, #tpu.memory_space<vmem_shared>>) target(%dma_start3A_42 : memref<512x128xf32, #tpu.memory_space<hbm>>) target_semaphore(%run_scoped3A : memref<!tpu.dma_semaphore, #tpu.memory_space<semaphore_mem>>)
        %dma_wait3A = arith.constant 0 : i32
        %dma_wait3A_43 = arith.constant 0 : i32
        %dma_wait3A_44 = tpu.memref_slice %arg4[%arg0, %dma_wait3A, %dma_wait3A_43] : memref<2x512x128xf32, #tpu.memory_space<hbm>> -> memref<1x512x128xf32, #tpu.memory_space<hbm>>
        %dma_wait3A_45 = tpu.memref_squeeze %dma_wait3A_44 : memref<1x512x128xf32, #tpu.memory_space<hbm>> -> memref<512x128xf32, #tpu.memory_space<hbm>>
        tpu.wait_dma2 semaphore(%run_scoped3A : memref<!tpu.dma_semaphore, #tpu.memory_space<semaphore_mem>>) src(%arg12 : memref<512x128xf32, #tpu.memory_space<vmem_shared>>) dst(%dma_wait3A_45 : memref<512x128xf32, #tpu.memory_space<hbm>>)
        tpu.yield
      }) : () -> ()
    } else {
    }
    return
  }
}

module attributes {stable_mosaic.version = 14 : i64} {
  func.func @_combine(%arg0: memref<2x512x128xf32, #tpu.memory_space<vmem>>, %arg1: memref<32x512x16xf32, #tpu.memory_space<vmem>>, %arg2: memref<512x128xf32, #tpu.memory_space<vmem>>) attributes {dimension_semantics = [], scalar_prefetch = 0 : i64, scratch_operands = 0 : i64, tpu.core_type = #tpu.core_type<tc>} {
    %get3A = arith.constant 0 : index
    %get3A_0 = arith.constant 0 : index
    %get3A_1 = arith.constant 0 : index
    %get3A_2 = vector.load %arg0[%get3A, %get3A_0, %get3A_1] : memref<2x512x128xf32, #tpu.memory_space<vmem>>, vector<1x512x128xf32>
    %get3A_3 = vector.shape_cast %get3A_2 : vector<1x512x128xf32> to vector<512x128xf32>
    %get3A_4 = arith.constant 1 : index
    %get3A_5 = arith.constant 0 : index
    %get3A_6 = arith.constant 0 : index
    %get3A_7 = vector.load %arg0[%get3A_4, %get3A_5, %get3A_6] : memref<2x512x128xf32, #tpu.memory_space<vmem>>, vector<1x512x128xf32>
    %get3A_8 = vector.shape_cast %get3A_7 : vector<1x512x128xf32> to vector<512x128xf32>
    %add3A = arith.addf %get3A_3, %get3A_8 : vector<512x128xf32>
    %get3A_9 = arith.constant 0 : index
    %get3A_10 = arith.constant 0 : index
    %get3A_11 = arith.constant 0 : index
    %get3A_12 = vector.load %arg1[%get3A_9, %get3A_10, %get3A_11] : memref<32x512x16xf32, #tpu.memory_space<vmem>>, vector<32x512x16xf32>
    %reduce_sum3A = arith.constant dense<0.000000e+00> : vector<512x16xf32>
    %reduce_sum3A_13 = vector.multi_reduction <add>, %get3A_12, %reduce_sum3A [0] : vector<32x512x16xf32> to vector<512x16xf32>
    %slice3A = vector.extract_strided_slice %reduce_sum3A_13 {offsets = [0, 0], sizes = [512, 1], strides = [1, 1]} : vector<512x16xf32> to vector<512x1xf32>
    %max3A = arith.constant 1.000000e+00 : f32
    %max3A_14 = vector.broadcast %max3A : f32 to vector<512x1xf32>
    %max3A_15 = arith.maximumf %slice3A, %max3A_14 : vector<512x1xf32>
    %div3A = vector.broadcast %max3A_15 : vector<512x1xf32> to vector<512x128xf32>
    %div3A_16 = arith.divf %add3A, %div3A : vector<512x128xf32>
    %swap3A = arith.constant 0 : index
    %swap3A_17 = arith.constant 0 : index
    %swap3A_18 = vector.load %arg2[%swap3A, %swap3A_17] : memref<512x128xf32, #tpu.memory_space<vmem>>, vector<512x128xf32>
    tpu.vector_store %arg2[%swap3A, %swap3A_17], %div3A_16 {strides = array<i32>} : memref<512x128xf32, #tpu.memory_space<vmem>>, vector<512x128xf32>,
    return
  }
}

</mosaic_0001>

<sc_bundles>
// kernel: kernel.4.cloned.1.call-start
scs
__scs_entry_jumppad:
0x0: {  	(pc) =	sbr.rel $0x88, $3  }
0x1: {  	(tag) =	ssettag $0x0;
	lr =	simm.s32 $0x1  }
0x2: {  	[smem:$0x3F9F] =	sst lr;
	_ =	strace $0xD0000000  }
0x3: {  	_ = 	snop  }
0x4: {  	_ = 	snop  }
0x5: {  	_ = 	snop  }
0x6: {  	_ = 	snop  }
0x7: {  	_ = 	snop  }
__scs_overlays_trampoline_lowered:
0x8: {  	[smem:$0x3FAE] =	sst s0  }
0x9: {  	[smem:$0x3FAF] =	sst s1  }
0xa: {  	[smem:$0x3FB0] =	sst s2  }
0xb: {  	[smem:$0x3FB1] =	sst s3  }
0xc: {  	[smem:$0x3FB2] =	sst s4  }
0xd: {  	[smem:$0x3FB3] =	sst s5  }
0xe: {  	[smem:$0x3FB4] =	sst s6  }
0xf: {  	[smem:$0x3FB5] =	sst s7  }
0x10: {  	[smem:$0x3FB6] =	sst s8  }
0x11: {  	[smem:$0x3FB7] =	sst s9;
	s0 =	simm.s32 @!p0 $0x0  }
0x12: {  	s1 =	sld [smem:$0x3F9D];
	s0 =	simm.s32 @p0 $0x1  }
0x13: {  	[smem:$0x3FB8] =	sst s0;
	s0 =	simm.s32 @!p1 $0x0  }
0x14: {  	s2 =	sld [smem:$0x3F9C];
	s0 =	simm.s32 @p1 $0x1  }
0x15: {  	[smem:$0x3FB9] =	sst s0;
	s0 =	simm.s32 @!p2 $0x0  }
0x16: {  	s3 =	sld [smem:$0x3FDB];
	s0 =	simm.s32 @p2 $0x1  }
0x17: {  	s4 =	simm.s32 $0x1BF5;
	[smem:$0x3FBB] =	sst s0  }
0x18: {  	s0 =	sld [smem:$0x3F9E];
	_ =	swait.ge [sflag:s4], $0x0  }
0x19: {  	s7 =	sld [smem:$0x3F9F]  }
0x1a: {  	s8 =	sadd.s32 $0xFFFFE003, lr  }
0x1b: {  	s9 =	sadd.s32 $0xFFFFFEF7, lr;
	s5 =	simm.s32 $0xFFFFFFFF;
	p2 =	slt.u32 s8, $0xFFFFF086  }
0x1c: {  	p1 =	slt.u32 s9, $0xF7A;
	s5 =	simm.s32 @!p2 $0x0  }
0x1d: {  	s5 =	simm.s32 @p1 $0x1;
	p0 =	seq.s32 s7, s2  }
0x1e: {  	s7 =	smul.u32 @!p0 $0xF7A, s2;
	p2 =	seq.s32 @!p0 s5, $0x0  }
0x1f: {  	s9 =	smul.u32 $0xF7A, s1;
	s8 =	simm.s32 @!p0 $0x1BF5;
	p2 =	por !p2, p0  }
0x20: {  	[sflag:s8] =	ssyncset.s32 @!p0 $0xFFFFF086;
	s6 =	sadd.s32 @!p0 s3, s7;
	s7 =	simm.s32 @!p0 $0x108  }
0x21: {  	s3 =	sadd.s32 s3, s9;
	s6 =	sadd.s32 @!p0 $0x88, s6;
	s7 =	simm.s32 @p2 $0x1082  }
0x22: {  	[simem:s7], [sflag:s8] =	dma.local @!p0 [hbm:s6], $0xF7A  }
0x23: {  	s9 =	sor.u32 $0xD0000000, s2;
	s6 =	simm.s32 $0x108;
	_ =	swait.ge @!p0 [sflag:s8], $0x0  }
0x24: {  	s3 =	sadd.s32 $0x88, s3;
	s6 =	simm.s32 @!p1 $0x1082;
	[sflag:s4] =	ssyncset.s32 $0xFFFFF086  }
0x25: {  	[simem:s6], [sflag:s4] =	dma.local [hbm:s3], $0xF7A  }
0x26: {  	[smem:$0x3F9F] =	sst s1;
	(tag) =	ssettag s2;
	_ =	strace s9  }
0x27: {  	s1 =	sld [smem:$0x3FAF]  }
0x28: {  	s2 =	sld [smem:$0x3FB0]  }
0x29: {  	s4 =	sld [smem:$0x3FB2]  }
0x2a: {  	p0 =	seq.s32 s5, $0x0;
	s5 =	sld [smem:$0x3FB3]  }
0x2b: {  	s6 =	sld [smem:$0x3FB4]  }
0x2c: {  	s7 =	sld [smem:$0x3FB5]  }
0x2d: {  	s3 =	simm.s32 $0x108;
	s8 =	sld [smem:$0x3FB6]  }
0x2e: {  	s3 =	simm.s32 @!p0 $0x1082;
	s9 =	sld [smem:$0x3FB7]  }
0x2f: {  	lr =	sadd.s32 s0, s3;
	s0 =	sld [smem:$0x3FAE]  }
0x30: {  	s3 =	sld [smem:$0x3FB1]  }
0x31: {  	[smem:$0x3FBA] =	sst s10  }
0x32: {  	s10 =	sld [smem:$0x3FB8];
	_ =	sdelay $0x3  }
0x33: {  	p0 =	seq.s32 s10, $0x1;
	s10 =	sld [smem:$0x3FBA];
	_ =	sdelay $0x3  }
0x34: {  	[smem:$0x3FBA] =	sst s10  }
0x35: {  	s10 =	sld [smem:$0x3FB9];
	_ =	sdelay $0x3  }
0x36: {  	p1 =	seq.s32 s10, $0x1;
	s10 =	sld [smem:$0x3FBA];
	_ =	sdelay $0x3  }
0x37: {  	[smem:$0x3FBA] =	sst s10  }
0x38: {  	s10 =	sld [smem:$0x3FBB]  }
0x39: {  	_ = 	snop;
	(pc) =	sbr.ind lr, $3  }
0x3a: {  	_ = 	snop  }
0x3b: {  	_ = 	snop  }
0x3c: {  	p2 =	seq.s32 s10, $0x1;
	s10 =	sld [smem:$0x3FBA]  }
0x3d: {  	_ =	shalt  }
0x3e: {  	_ =	shalt  }
0x3f: {  	_ =	shalt  }
0x40: {  	_ =	shalt  }
0x41: {  	_ =	shalt  }
0x42: {  	_ =	shalt  }
0x43: {  	_ =	shalt  }
0x44: {  	_ =	shalt  }
0x45: {  	_ =	shalt  }
0x46: {  	_ =	shalt  }
0x47: {  	_ =	shalt  }
0x48: {  	_ =	shalt  }
0x49: {  	_ =	shalt  }
0x4a: {  	_ =	shalt  }
0x4b: {  	_ =	shalt  }
0x4c: {  	_ =	shalt  }
0x4d: {  	_ =	shalt  }
0x4e: {  	_ =	shalt  }
0x4f: {  	_ =	shalt  }
0x50: {  	_ =	shalt  }
0x51: {  	_ =	shalt  }
0x52: {  	_ =	shalt  }
0x53: {  	_ =	shalt  }
0x54: {  	_ =	shalt  }
0x55: {  	_ =	shalt  }
0x56: {  	_ =	shalt  }
0x57: {  	_ =	shalt  }
0x58: {  	_ =	shalt  }
0x59: {  	_ =	shalt  }
0x5a: {  	_ =	shalt  }
0x5b: {  	_ =	shalt  }
0x5c: {  	_ =	shalt  }
0x5d: {  	_ =	shalt  }
0x5e: {  	_ =	shalt  }
0x5f: {  	_ =	shalt  }
0x60: {  	_ =	shalt  }
0x61: {  	_ =	shalt  }
0x62: {  	_ =	shalt  }
0x63: {  	_ =	shalt  }
0x64: {  	_ =	shalt  }
0x65: {  	_ =	shalt  }
0x66: {  	_ =	shalt  }
0x67: {  	_ =	shalt  }
0x68: {  	_ =	shalt  }
0x69: {  	_ =	shalt  }
0x6a: {  	_ =	shalt  }
0x6b: {  	_ =	shalt  }
0x6c: {  	_ =	shalt  }
0x6d: {  	_ =	shalt  }
0x6e: {  	_ =	shalt  }
0x6f: {  	_ =	shalt  }
0x70: {  	_ =	shalt  }
0x71: {  	_ =	shalt  }
0x72: {  	_ =	shalt  }
0x73: {  	_ =	shalt  }
0x74: {  	_ =	shalt  }
0x75: {  	_ =	shalt  }
0x76: {  	_ =	shalt  }
0x77: {  	_ =	shalt  }
0x78: {  	_ =	shalt  }
0x79: {  	_ =	shalt  }
0x7a: {  	_ =	shalt  }
0x7b: {  	_ =	shalt  }
0x7c: {  	_ =	shalt  }
0x7d: {  	_ =	shalt  }
0x7e: {  	_ =	shalt  }
0x7f: {  	_ =	shalt  }
0x80: {  	_ =	shalt  }
0x81: {  	_ =	shalt  }
0x82: {  	_ =	shalt  }
0x83: {  	_ =	shalt  }
0x84: {  	_ =	shalt  }
0x85: {  	_ =	shalt  }
0x86: {  	_ =	shalt  }
0x87: {  	_ =	shalt  }
.Lfunc_end0:
.L_simem_size_0:
called_computation_lowered:
.L_overlay_start_0:
0x88: {  	s2 =	sld [smem:$0x3FD9]  }
0x89: {  	s3 =	sld [smem:$0x3FFE];
	_ =	sdelay $0x1  }
0x8a: {  	s1 =	srdreg.scid  }
0x8b: {  	s0 =	sand.u32 $0x1, s1  }
0x8c: {  	s17 =	sshll.u32 s0, $0xA;
	s2 =	sadd.s32 s3, s2  }
0x8d: {  	s2 =	sadd.s32 s2, s17  }
0x8e: {  	[smem:$0x3FC6] =	sst s2  }
0x8f: {  	_ = 	snop  }
0x90: {  	s2 =	sld [smem:$0x3FC9]  }
0x91: {  	s18 =	sld [smem:$0x3FC8];
	(tm) =	ssettm $0x1  }
0x92: {  	s4 =	sld [smem:$0x3FFB];
	_ =	sdelay $0x3  }
0x93: {  	_ =	strace s4  }
0x94: {  	s4 =	sld [smem:$0x3FFC];
	_ =	sdelay $0x3  }
0x95: {  	_ =	strace s4  }
0x96: {  	s4 =	sld [smem:$0x3FFD];
	_ =	sdelay $0x3  }
0x97: {  	_ =	strace s4  }
0x98: {  	_ =	strace $0x8FFFFFFF  }
0x99: {  	s19 =	sld [smem:$0x3FDB];
	_ =	sdelay $0x1  }
0x9a: {  	s5 =	simm.s32 $_scs_section_size  }
0x9b: {  	s6 =	simm.s32 $_size__tile_overlayer_lowered;
	s7 =	simm.s32 $_tile_overlayer_lowered  }
0x9c: {  	s22 =	simm.s32 $0x1BFF;
	s21 =	sshll.u32 s7, $0x1;
	s4 =	sadd.s32 s5, s19  }
0x9d: {  	s8 =	simm.s32 $0x0;
	s20 =	sshll.u32 s6, $0x1;
	s6 =	sadd.s32 s21, s4  }
0x9e: {  	[timem:s8], [sflag:s22] =	dma.local [hbm:s6], s20  }
0x9f: {  	_ =	swait.ge [sflag:s22], s20  }
0xa0: {  	s5 =	ssub.s32 $0x0, s20;
	[sflag:s22] =	ssyncset.done $0x0  }
0xa1: {  	[sflag:s22] =	ssyncadd.s32 s5;
	_ =	sdelay $0x1  }
0xa2: {  	s23 =	simm.s32 $0x1B8B  }
0xa3: {  	_ =	swait.ge [sflag:s23], $0x1  }
0xa4: {  	[sflag:s23] =	ssyncset.done $0x0  }
0xa5: {  	s25 =	simm.s32 $0x1B8E;
	s24 =	sld [smem:$0x3FFE];
	[sflag:s23] =	ssyncadd.s32 $0xFFFFFFFF  }
0xa6: {  	s26 =	simm.s32 $execute0_lowered;
	[smem:$0x3FD2] =	sst s25  }
0xa7: {  	s6 =	sshll.u32 s26, $0x1;
	_ =	strace $0x80000046;
	[dreg:$0x1] =	wrdreg $0xFFFFFFFF  }
0xa8: {  	s28 =	simm.s32 $_size_execute0_lowered;
	s4 =	sadd.s32 s4, s6;
	[dreg:$0x0] =	wrdreg $0x0  }
0xa9: {  	s6 =	sshll.u32 s28, $0x1;
	[dreg:$0x2] =	wrdreg s4  }
0xaa: {  	[dreg:$0x3] =	wrdreg s6  }
0xab: {  	[dreg:$0x4] =	wrdreg $0xC0  }
0xac: {  	_ =	task [dreg:s8], $0x5FFFF  }
0xad: {  	[dreg:$0x1] =	wrdreg $0xFFFFFFFF  }
0xae: {  	[dreg:$0x0] =	wrdreg $0x60  }
0xaf: {  	[dreg:$0x2] =	wrdreg s2  }
0xb0: {  	[dreg:$0x3] =	wrdreg s18  }
0xb1: {  	[dreg:$0x4] =	wrdreg s24  }
0xb2: {  	[dreg:$0x5] =	wrdreg $0x181800  }
0xb3: {  	[dreg:$0x6] =	wrdreg $0x9  }
0xb4: {  	_ =	task.clear_ibuf [dreg:s8], $0x7FFFF;
	_ =	strace $0x90000046  }
0xb5: {  	s29 =	simm.s32 $0x9;
	_ =	strace $0x80000048  }
0xb6: {  	_ =	swait.ge [sflag:s29], $0x1  }
0xb7: {  	[sflag:s29] =	ssyncadd.s32 $0xFFFFFFFF  }
0xb8: {  	_ =	strace $0x90000048  }
0xb9: {  	_ =	sfence  }
0xba: {  	s30 =	sld [smem:$0x0];
	_ =	sdelay $0x2  }
0xbb: {  	s31 =	sshll.u32 s1, $0xD;
	s1 =	sshrl.u32 s1, $0x2  }
0xbc: {  	s3 =	sand.u32 $0x4000, s31;
	s1 =	sadd.s32 s1, s30  }
0xbd: {  	s0 =	sor.u32 s3, s0;
	s1 =	sshll.u32 s1, $0x11  }
0xbe: {  	s0 =	sor.u32 s1, s0  }
0xbf: {  	s0 =	sadd.s32 $0x8F2B, s0  }
0xc0: {  	[sflag:s0] =	ssyncadd.remote.s32 $0x1  }
0xc1: {  	_ =	sfence.sel $0xFFFF  }
0xc2: {  	[dreg:$0x0] =	wrdreg $0xFFFFFFFF;
	(pc) =	sbr.abs _section_cstart, $3  }
0xc3: {  	[dreg:$0x1] =	wrdreg $0xFFFFFFFF  }
0xc4: {  	_ =	task.clear_ibuf [dreg:s8], $0x2FFFF;
	_ =	strace $0x9FFFFFFF  }
0xc5: {  	(tm) =	ssettm $0x7FFFFFFF  }
tec
execute0_lowered:
.L_overlay_start_1:
0x0: {  	(tag) =	ssettag $0x1  }
0x1: {  	s1 =	rddreg [dreg:$0x0]  }
0x2: {  	s2 =	rddreg [dreg:$0x1]  }
0x3: {  	s0 =	rddreg [dreg:$0x2]  }
0x4: {  	s3 =	rddreg [dreg:$0x3];
	s4 =	simm.s32 $0x0;
	s5 =	srdreg.scid  }
0x5: {  	s9 =	stileid.u32;
	s14 =	simm.s32 $0x7;
	s15 =	simm.s32 $0x8000  }
0x6: {  	s16 =	simm.s32 $0x2;
	s17 =	simm.s32 $0x1;
	s18 =	simm.s32 $0x80  }
0x7: {  	s19 =	simm.s32 $0x5;
	s20 =	simm.s32 $0x4;
	s21 =	simm.s32 $0x3  }
0x8: {  	s22 =	simm.s32 $0x8080;
	s28 =	simm.s32 $0x8180;
	s29 =	simm.s32 $0x0  }
0x9: {  	[smem:$0x7FF] =	sst s4;
	s6 =	sand.u32 $0x1, s5;
	s23 =	sshll.u32 s9, $0x1  }
0xa: {  	s25 =	sshll.u32 s9, $0xC;
	s10 =	sadd.s32 $0x30D0, s2;
	s31 =	sadd.s32 $0x186800, s1  }
0xb: {  	p0 =	sne.s32 s9, $0x0;
	_ =	strace $0x80000047;
	s7 =	sshll.u32 s6, $0xD  }
0xc: {  	s5 =	sor.u32 s6, s23;
	s6 =	ssub.s32 $0x2, s6;
	[dreg:$0x5] =	wrdreg s10  }
0xd: {  	[dreg:$0x6] =	wrdreg s31;
	s23 =	simm.s32 $0x4000;
	s12 =	sadd.s32 s7, s0  }
.Ltmp0:
0xe: {  	s24 =	sshll.u32 s5, $0xD;
	s8 =	sshrl.u32 s6, $0x1;
	(pc) =	sbr.rel .LBB2_1-.Ltmp0, $4  }
0xf: {  	s26 =	sshll.u32 s5, $0x4;
	s30 =	sshll.u32 s5, $0xB;
	p1 =	sne.s32 s5, $0xD  }
0x10: {  	s0 =	sadd.s32 s24, s0;
	s13 =	ssub.s32 s6, s8;
	s6 =	sadd.s32 s25, s3  }
0x11: {  	s7 =	sadd.s32 s2, s26;
	s8 =	sadd.s32 s1, s30;
	s12 =	sadd.s32 $0x40C00, s12  }
0x12: {  	v0 =	vimm.f32 $0.0e+00;
	v1 =	vimm.f32 $1.000000000e+00;
	s24 =	simm.s32 $0x6;
	s11 =	sadd.s32 $0xC00, s0;
	s13 =	smax.u32 s13, $0x1  }
.LBB2_18:
0x13: {  	[hbm4b:s11+s4] =	stream.linear.scatter [tilespmem:s28], [sflag:$0x7], $0x10000, $0x38;
	[tilespmem:$0x19180] =	vst v63  }
0x14: {  	_ =	swait.ge [sflag:s14], $0x10000  }
0x15: {  	[sflag:s14] =	ssyncset.done $0x0  }
0x16: {  	s0 =	sshrl.u32 @!p0 s3, $0x3;
	s29 =	sadd.s32 $0x1, s29;
	[sflag:s14] =	ssyncadd.s32 $0xFFFF0000  }
0x17: {  	s9 =	simm.s32 @!p0 $0x1C07;
	p2 =	sne.s32 s29, s13;
	[bflag:$0x0] =	sbarrier.arrive $0xFFFF  }
0x18: {  	[hbm:s12], [sflag:s9] =	dma.local @!p0 [spmem:s0], $0x2000  }
.Ltmp1:
0x19: {  	_ = 	snop;
	(pc) =	sbr.rel @!p2 .LBB2_19-.Ltmp1, $4  }
0x1a: {  	s0 =	simm.s32 @!p0 $0x7  }
0x1b: {  	_ =	swait.ge @!p0 [sflag:s0], $0x2000  }
0x1c: {  	[sflag:s0] =	ssyncset.done @!p0 $0x0  }
0x1d: {  	[sflag:s0] =	ssyncadd.s32 @!p0 $0xFFFFE000  }
.LBB2_1:
0x1e: {  	s0 =	simm.s32 $0x0  }
.LBB2_2:
0x1f: {  	p2 =	sne.s32 s0, $0x3FE00  }
.Ltmp2:
0x20: {  	_ = 	snop;
	(pc) =	sbr.rel @p2 .LBB2_2-.Ltmp2, $3  }
0x21: {  	_ =	sdelay $0x1  }
0x22: {  	s9 =	sshra.s32 s0, $0x2  }
0x23: {  	s0 =	sadd.s32 $0x200, s0;
	[tilespmem:s9+$0x8180] =	vst v0  }
0x24: {  	s0 =	simm.s32 $0x0  }
0x25: {  	s9 =	sand.u32 $0x3E00, s0  }
0x26: {  	s26 =	sand.u32 $0x70, s0;
	s9 =	sshrl.u32 s9, $0x2  }
0x27: {  	s25 =	simm.s32 $0x40;
	s9 =	sor.u32 s26, s9  }
.LBB2_4:
0x28: {  	p2 =	sne.s32 s25, $0x3FC0  }
0x29: {  	[tilespmem:s9+$0x0] =	vst v0;
	s0 =	sadd.s32 $0x10, s0;
	s9 =	smov.u32 s25;
	s25 =	sadd.s32 $0x40, s25  }
.Ltmp3:
0x2a: {  	(pc) =	sbr.rel @p2 .LBB2_4-.Ltmp3, $4  }
0x2b: {  	_ = 	snop  }
0x2c: {  	s9 =	sand.u32 $0x3E00, s9  }
0x2d: {  	s26 =	sand.u32 $0x70, s0;
	s9 =	sshrl.u32 s9, $0x2  }
0x2e: {  	s9 =	sor.u32 s26, s9  }
0x2f: {  	[tilespmem:s9+$0x0] =	vst v0;
	s30 =	simm.s32 $0x0  }
0x30: {  	[spmem:s6] =	stream.linear.scatter [tilespmem:s30], [sflag:$0x7], $0x1000, $0x38;
	[tilespmem:$0x19180] =	vst v63  }
0x31: {  	_ =	swait.ge [sflag:s14], $0x1000  }
0x32: {  	[sflag:s14] =	ssyncset.done $0x0  }
0x33: {  	[sflag:s14] =	ssyncadd.s32 $0xFFFFF000  }
0x34: {  	[tilespmem:s15], [sflag:$0x2] =	stream.linear.gather [hbm4b:s7+s30], $0x80, $0x38;
	[tilespmem:$0x19180] =	vst v63  }
.Ltmp4:
0x35: {  	_ = 	snop;
	(pc) =	sbr.rel .LBB2_6-.Ltmp4, $3  }
0x36: {  	_ = 	snop  }
0x37: {  	[tilespmem:s30], [sflag:$0x1] =	stream.linear.gather [hbm4b:s8+s30], $0x4000, $0x38;
	[tilespmem:$0x19180] =	vst v63  }
0x38: {  	[bflag:$0x0] =	sbarrier.arrive $0xFFFF;
	_ =	sdelay $0x1  }
.LBB2_15:
0x39: {  	s30 =	sadd.s32 $0x1, s30  }
0x3a: {  	p2 =	sne.s32 s30, $0xD  }
.Ltmp5:
0x3b: {  	_ = 	snop;
	(pc) =	sbr.rel @!p2 .LBB2_16-.Ltmp5, $1  }
0x3c: {  	_ =	sdelay $0x3  }
.LBB2_6:
0x3d: {  	s0 =	sshll.u32 s30, $0x6  }
0x3e: {  	s31 =	sor.u32 s5, s0  }
0x3f: {  	s0 =	sor.u32 $0x20, s31  }
0x40: {  	p3 =	sgt.u32 s31, $0x30C;
	p2 =	sgt.u32 s0, $0x30C  }
.Ltmp6:
0x41: {  	s9 =	sshll.u32 @!p2 s0, $0x4;
	s25 =	simm.s32 @!p2 $0x0;
	(pc) =	sbr.rel @p3 .LBB2_15-.Ltmp6, $4  }
0x42: {  	s26 =	simm.s32 @!p2 $0x8080;
	s0 =	sshll.u32 @!p2 s0, $0xB;
	s9 =	sadd.s32 @!p2 s2, s9  }
0x43: {  	[tilespmem:s26], [sflag:$0x4] =	stream.linear.gather @!p2 [hbm4b:s9+s25], $0x80, $0x38;
	[tilespmem:$0x19180] =	vst v63  }
0x44: {  	s0 =	sadd.s32 @!p2 s1, s0;
	s9 =	simm.s32 @!p2 $0x4000  }
0x45: {  	[tilespmem:s9], [sflag:$0x3] =	stream.linear.gather @!p2 [hbm4b:s0+s25], $0x4000, $0x38;
	[tilespmem:$0x19180] =	vst v63  }
0x46: {  	_ =	swait.ge [sflag:s16], $0x80  }
0x47: {  	[sflag:s16] =	ssyncset.done $0x0  }
0x48: {  	[sflag:s16] =	ssyncadd.s32 $0xFFFFFF80  }
0x49: {  	_ =	swait.ge [sflag:s17], $0x4000  }
0x4a: {  	[sflag:s17] =	ssyncset.done $0x0  }
0x4b: {  	s0 =	simm.s32 $0x0;
	s26 =	simm.s32 $0x0;
	[sflag:s17] =	ssyncadd.s32 $0xFFFFC000  }
0x4c: {  	[spmem:s3] =	stream.indirect.scatter.add.f32 [tilespmem:s0], [sflag:$0x5], $0x80, s15, s18, $0xb8;
	[tilespmem:$0x19180] =	vst v63  }
0x4d: {  	v2 =	vld [tilespmem:s26+$0x8000];
	_ =	sdelay $0x4  }
0x4e: {  	v2 =	vshll.u32 v2, $0x9  }
0x4f: {  	v2 =	vshra.s32 v2, $0x2  }
0x50: {  	v2 =	vadd.s32 $0x8180, v2  }
0x51: {  	(v2sf) =	vpush v2, $0x0  }
0x52: {  	(v2sf) =	vpush v2, $0x1  }
0x53: {  	(v2sf) =	vpush v2, $0x2  }
0x54: {  	(v2sf) =	vpush v2, $0x3  }
0x55: {  	(v2sf) =	vpush v2, $0x4  }
0x56: {  	(v2sf) =	vpush v2, $0x5  }
0x57: {  	(v2sf) =	vpush v2, $0x6  }
0x58: {  	(v2sf) =	vpush v2, $0x7  }
0x59: {  	(v2sf) =	vpush v2, $0x8  }
0x5a: {  	(v2sf) =	vpush v2, $0x9  }
0x5b: {  	(v2sf) =	vpush v2, $0xA  }
0x5c: {  	(v2sf) =	vpush v2, $0xB  }
0x5d: {  	(v2sf) =	vpush v2, $0xC  }
0x5e: {  	(v2sf) =	vpush v2, $0xD  }
0x5f: {  	(v2sf) =	vpush v2, $0xE  }
0x60: {  	s9 =	spop (v2sf);
	(v2sf) =	vpush v2, $0xF  }
0x61: {  	[tilespmem:s9+$0x0] =	vst.add.f32.msk $0xffff, v1;
	s10 =	spop (v2sf)  }
0x62: {  	[tilespmem:s10+$0x0] =	vst.add.f32.msk $0xffff, v1;
	s25 =	spop (v2sf)  }
0x63: {  	[tilespmem:s25+$0x0] =	vst.add.f32.msk $0xffff, v1;
	s26 =	spop (v2sf)  }
0x64: {  	[tilespmem:s26+$0x0] =	vst.add.f32.msk $0xffff, v1;
	s9 =	spop (v2sf)  }
0x65: {  	[tilespmem:s9+$0x0] =	vst.add.f32.msk $0xffff, v1;
	s10 =	spop (v2sf)  }
0x66: {  	[tilespmem:s10+$0x0] =	vst.add.f32.msk $0xffff, v1;
	s25 =	spop (v2sf)  }
0x67: {  	[tilespmem:s25+$0x0] =	vst.add.f32.msk $0xffff, v1;
	s26 =	spop (v2sf)  }
0x68: {  	[tilespmem:s26+$0x0] =	vst.add.f32.msk $0xffff, v1;
	s9 =	spop (v2sf)  }
0x69: {  	[tilespmem:s9+$0x0] =	vst.add.f32.msk $0xffff, v1;
	s10 =	spop (v2sf)  }
0x6a: {  	[tilespmem:s10+$0x0] =	vst.add.f32.msk $0xffff, v1;
	s25 =	spop (v2sf)  }
0x6b: {  	[tilespmem:s25+$0x0] =	vst.add.f32.msk $0xffff, v1;
	s26 =	spop (v2sf)  }
0x6c: {  	[tilespmem:s26+$0x0] =	vst.add.f32.msk $0xffff, v1;
	s9 =	spop (v2sf)  }
0x6d: {  	[tilespmem:s9+$0x0] =	vst.add.f32.msk $0xffff, v1;
	s9 =	spop (v2sf)  }
0x6e: {  	s0 =	sadd.s32 $0x40, s31;
	[tilespmem:s9+$0x0] =	vst.add.f32.msk $0xffff, v1;
	s10 =	spop (v2sf)  }
0x6f: {  	s25 =	simm.s32 $0x80;
	s26 =	simm.s32 $0x40;
	[tilespmem:s10+$0x0] =	vst.add.f32.msk $0xffff, v1;
	s9 =	spop (v2sf)  }
.LBB2_8:
0x70: {  	p3 =	sne.s32 s25, $0x1C0  }
0x71: {  	s10 =	sshra.s32 s26, $0x2;
	[tilespmem:s9+$0x0] =	vst.add.f32.msk $0xffff, v1;
	s26 =	smov.u32 s25;
	s25 =	sadd.s32 $0x40, s25  }
0x72: {  	v2 =	vld [tilespmem:s10+$0x8000];
	_ =	sdelay $0x4  }
0x73: {  	v2 =	vshll.u32 v2, $0x9  }
0x74: {  	v2 =	vshra.s32 v2, $0x2  }
0x75: {  	v2 =	vadd.s32 $0x8180, v2  }
0x76: {  	(v2sf) =	vpush v2, $0x0  }
0x77: {  	(v2sf) =	vpush v2, $0x1  }
0x78: {  	(v2sf) =	vpush v2, $0x2  }
0x79: {  	(v2sf) =	vpush v2, $0x3  }
0x7a: {  	(v2sf) =	vpush v2, $0x4  }
0x7b: {  	(v2sf) =	vpush v2, $0x5  }
0x7c: {  	(v2sf) =	vpush v2, $0x6  }
0x7d: {  	(v2sf) =	vpush v2, $0x7  }
0x7e: {  	(v2sf) =	vpush v2, $0x8  }
0x7f: {  	(v2sf) =	vpush v2, $0x9  }
0x80: {  	(v2sf) =	vpush v2, $0xA  }
0x81: {  	(v2sf) =	vpush v2, $0xB  }
0x82: {  	(v2sf) =	vpush v2, $0xC  }
0x83: {  	(v2sf) =	vpush v2, $0xD  }
0x84: {  	(v2sf) =	vpush v2, $0xE  }
0x85: {  	s9 =	spop (v2sf);
	(v2sf) =	vpush v2, $0xF  }
0x86: {  	[tilespmem:s9+$0x0] =	vst.add.f32.msk $0xffff, v1;
	s9 =	spop (v2sf)  }
0x87: {  	[tilespmem:s9+$0x0] =	vst.add.f32.msk $0xffff, v1;
	s9 =	spop (v2sf)  }
0x88: {  	[tilespmem:s9+$0x0] =	vst.add.f32.msk $0xffff, v1;
	s9 =	spop (v2sf)  }
0x89: {  	[tilespmem:s9+$0x0] =	vst.add.f32.msk $0xffff, v1;
	s9 =	spop (v2sf)  }
0x8a: {  	[tilespmem:s9+$0x0] =	vst.add.f32.msk $0xffff, v1;
	s9 =	spop (v2sf)  }
0x8b: {  	[tilespmem:s9+$0x0] =	vst.add.f32.msk $0xffff, v1;
	s9 =	spop (v2sf)  }
0x8c: {  	[tilespmem:s9+$0x0] =	vst.add.f32.msk $0xffff, v1;
	s9 =	spop (v2sf)  }
0x8d: {  	[tilespmem:s9+$0x0] =	vst.add.f32.msk $0xffff, v1;
	s9 =	spop (v2sf)  }
0x8e: {  	[tilespmem:s9+$0x0] =	vst.add.f32.msk $0xffff, v1;
	s9 =	spop (v2sf)  }
0x8f: {  	[tilespmem:s9+$0x0] =	vst.add.f32.msk $0xffff, v1;
	s9 =	spop (v2sf)  }
.Ltmp7:
0x90: {  	[tilespmem:s9+$0x0] =	vst.add.f32.msk $0xffff, v1;
	s9 =	spop (v2sf);
	(pc) =	sbr.rel @p3 .LBB2_8-.Ltmp7, $4  }
0x91: {  	[tilespmem:s9+$0x0] =	vst.add.f32.msk $0xffff, v1;
	s9 =	spop (v2sf)  }
0x92: {  	[tilespmem:s9+$0x0] =	vst.add.f32.msk $0xffff, v1;
	s9 =	spop (v2sf)  }
0x93: {  	[tilespmem:s9+$0x0] =	vst.add.f32.msk $0xffff, v1;
	s9 =	spop (v2sf)  }
0x94: {  	[tilespmem:s9+$0x0] =	vst.add.f32.msk $0xffff, v1;
	s9 =	spop (v2sf)  }
0x95: {  	s10 =	sshra.s32 s26, $0x2;
	[tilespmem:s9+$0x0] =	vst.add.f32.msk $0xffff, v1  }
0x96: {  	v2 =	vld [tilespmem:s10+$0x8000];
	_ =	sdelay $0x4  }
0x97: {  	v2 =	vshll.u32 v2, $0x9  }
0x98: {  	v2 =	vshra.s32 v2, $0x2  }
0x99: {  	v2 =	vadd.s32 $0x8180, v2  }
0x9a: {  	(v2sf) =	vpush v2, $0x0  }
0x9b: {  	(v2sf) =	vpush v2, $0x1  }
0x9c: {  	(v2sf) =	vpush v2, $0x2  }
0x9d: {  	(v2sf) =	vpush v2, $0x3  }
0x9e: {  	(v2sf) =	vpush v2, $0x4  }
0x9f: {  	(v2sf) =	vpush v2, $0x5  }
0xa0: {  	(v2sf) =	vpush v2, $0x6  }
0xa1: {  	(v2sf) =	vpush v2, $0x7  }
0xa2: {  	(v2sf) =	vpush v2, $0x8  }
0xa3: {  	(v2sf) =	vpush v2, $0x9  }
0xa4: {  	(v2sf) =	vpush v2, $0xA  }
0xa5: {  	(v2sf) =	vpush v2, $0xB  }
0xa6: {  	(v2sf) =	vpush v2, $0xC  }
0xa7: {  	(v2sf) =	vpush v2, $0xD  }
0xa8: {  	(v2sf) =	vpush v2, $0xE  }
0xa9: {  	s26 =	spop (v2sf);
	(v2sf) =	vpush v2, $0xF  }
0xaa: {  	[tilespmem:s26+$0x0] =	vst.add.f32.msk $0xffff, v1;
	s10 =	spop (v2sf)  }
0xab: {  	[tilespmem:s10+$0x0] =	vst.add.f32.msk $0xffff, v1;
	s25 =	spop (v2sf)  }
0xac: {  	[tilespmem:s25+$0x0] =	vst.add.f32.msk $0xffff, v1;
	s26 =	spop (v2sf)  }
0xad: {  	[tilespmem:s26+$0x0] =	vst.add.f32.msk $0xffff, v1;
	s10 =	spop (v2sf)  }
0xae: {  	[tilespmem:s10+$0x0] =	vst.add.f32.msk $0xffff, v1;
	s25 =	spop (v2sf)  }
0xaf: {  	[tilespmem:s25+$0x0] =	vst.add.f32.msk $0xffff, v1;
	s26 =	spop (v2sf)  }
0xb0: {  	[tilespmem:s26+$0x0] =	vst.add.f32.msk $0xffff, v1;
	s10 =	spop (v2sf)  }
0xb1: {  	[tilespmem:s10+$0x0] =	vst.add.f32.msk $0xffff, v1;
	s25 =	spop (v2sf)  }
0xb2: {  	[tilespmem:s25+$0x0] =	vst.add.f32.msk $0xffff, v1;
	s26 =	spop (v2sf)  }
0xb3: {  	[tilespmem:s26+$0x0] =	vst.add.f32.msk $0xffff, v1;
	s10 =	spop (v2sf)  }
0xb4: {  	[tilespmem:s10+$0x0] =	vst.add.f32.msk $0xffff, v1;
	s25 =	spop (v2sf)  }
0xb5: {  	[tilespmem:s25+$0x0] =	vst.add.f32.msk $0xffff, v1;
	s26 =	spop (v2sf)  }
0xb6: {  	[tilespmem:s26+$0x0] =	vst.add.f32.msk $0xffff, v1;
	s10 =	spop (v2sf)  }
0xb7: {  	p3 =	sgt.u32 s31, $0x2CC;
	[tilespmem:s10+$0x0] =	vst.add.f32.msk $0xffff, v1;
	s25 =	spop (v2sf)  }
.Ltmp8:
0xb8: {  	[tilespmem:s25+$0x0] =	vst.add.f32.msk $0xffff, v1;
	s26 =	spop (v2sf);
	(pc) =	sbr.rel @p3 .LBB2_11-.Ltmp8, $4  }
0xb9: {  	[tilespmem:s26+$0x0] =	vst.add.f32.msk $0xffff, v1  }
0xba: {  	_ =	swait.ge [sflag:s19], $0x4000  }
0xbb: {  	[sflag:s19] =	ssyncset.done $0x0  }
0xbc: {  	[sflag:s19] =	ssyncadd.s32 $0xFFFFC000  }
.Ltmp9:
0xbd: {  	s9 =	sshll.u32 s0, $0x4;
	(pc) =	sbr.rel .LBB2_12-.Ltmp9, $4  }
0xbe: {  	s31 =	sshll.u32 s0, $0xB;
	s9 =	sadd.s32 s2, s9  }
0xbf: {  	[tilespmem:s15], [sflag:$0x2] =	stream.linear.gather [hbm4b:s9+s4], $0x80, $0x38;
	[tilespmem:$0x19180] =	vst v63  }
0xc0: {  	s0 =	sadd.s32 s1, s31  }
0xc1: {  	[tilespmem:s4], [sflag:$0x1] =	stream.linear.gather [hbm4b:s0+s4], $0x4000, $0x38;
	[tilespmem:$0x19180] =	vst v63  }
.LBB2_11:
.Ltmp10:
0xc2: {  	(pc) =	sbr.rel @p2 .LBB2_15-.Ltmp10, $1  }
0xc3: {  	_ =	sdelay $0x3  }
.LBB2_12:
0xc4: {  	_ =	swait.ge [sflag:s20], $0x80  }
0xc5: {  	[sflag:s20] =	ssyncset.done $0x0  }
0xc6: {  	[sflag:s20] =	ssyncadd.s32 $0xFFFFFF80  }
0xc7: {  	_ =	swait.ge [sflag:s21], $0x4000  }
0xc8: {  	[sflag:s21] =	ssyncset.done $0x0  }
0xc9: {  	s0 =	simm.s32 $0x0;
	[sflag:s21] =	ssyncadd.s32 $0xFFFFC000  }
0xca: {  	[spmem:s3] =	stream.indirect.scatter.add.f32 [tilespmem:s23], [sflag:$0x6], $0x80, s22, s18, $0xb8;
	[tilespmem:$0x19180] =	vst v63  }
0xcb: {  	v2 =	vld [tilespmem:s0+$0x8080];
	_ =	sdelay $0x4  }
0xcc: {  	v2 =	vshll.u32 v2, $0x9  }
0xcd: {  	v2 =	vshra.s32 v2, $0x2  }
0xce: {  	v2 =	vadd.s32 $0x8180, v2  }
0xcf: {  	(v2sf) =	vpush v2, $0x0  }
0xd0: {  	(v2sf) =	vpush v2, $0x1  }
0xd1: {  	(v2sf) =	vpush v2, $0x2  }
0xd2: {  	(v2sf) =	vpush v2, $0x3  }
0xd3: {  	(v2sf) =	vpush v2, $0x4  }
0xd4: {  	(v2sf) =	vpush v2, $0x5  }
0xd5: {  	(v2sf) =	vpush v2, $0x6  }
0xd6: {  	(v2sf) =	vpush v2, $0x7  }
0xd7: {  	(v2sf) =	vpush v2, $0x8  }
0xd8: {  	(v2sf) =	vpush v2, $0x9  }
0xd9: {  	(v2sf) =	vpush v2, $0xA  }
0xda: {  	(v2sf) =	vpush v2, $0xB  }
0xdb: {  	(v2sf) =	vpush v2, $0xC  }
0xdc: {  	(v2sf) =	vpush v2, $0xD  }
0xdd: {  	(v2sf) =	vpush v2, $0xE  }
0xde: {  	s10 =	spop (v2sf);
	(v2sf) =	vpush v2, $0xF  }
0xdf: {  	[tilespmem:s10+$0x0] =	vst.add.f32.msk $0xffff, v1;
	s25 =	spop (v2sf)  }
0xe0: {  	[tilespmem:s25+$0x0] =	vst.add.f32.msk $0xffff, v1;
	s26 =	spop (v2sf)  }
0xe1: {  	[tilespmem:s26+$0x0] =	vst.add.f32.msk $0xffff, v1;
	s31 =	spop (v2sf)  }
0xe2: {  	[tilespmem:s31+$0x0] =	vst.add.f32.msk $0xffff, v1;
	s9 =	spop (v2sf)  }
0xe3: {  	[tilespmem:s9+$0x0] =	vst.add.f32.msk $0xffff, v1;
	s10 =	spop (v2sf)  }
0xe4: {  	[tilespmem:s10+$0x0] =	vst.add.f32.msk $0xffff, v1;
	s25 =	spop (v2sf)  }
0xe5: {  	[tilespmem:s25+$0x0] =	vst.add.f32.msk $0xffff, v1;
	s26 =	spop (v2sf)  }
0xe6: {  	[tilespmem:s26+$0x0] =	vst.add.f32.msk $0xffff, v1;
	s31 =	spop (v2sf)  }
0xe7: {  	[tilespmem:s31+$0x0] =	vst.add.f32.msk $0xffff, v1;
	s9 =	spop (v2sf)  }
0xe8: {  	[tilespmem:s9+$0x0] =	vst.add.f32.msk $0xffff, v1;
	s10 =	spop (v2sf)  }
0xe9: {  	[tilespmem:s10+$0x0] =	vst.add.f32.msk $0xffff, v1;
	s25 =	spop (v2sf)  }
0xea: {  	[tilespmem:s25+$0x0] =	vst.add.f32.msk $0xffff, v1;
	s26 =	spop (v2sf)  }
0xeb: {  	[tilespmem:s26+$0x0] =	vst.add.f32.msk $0xffff, v1;
	s31 =	spop (v2sf)  }
0xec: {  	[tilespmem:s31+$0x0] =	vst.add.f32.msk $0xffff, v1;
	s9 =	spop (v2sf)  }
0xed: {  	s0 =	simm.s32 $0x40;
	s25 =	simm.s32 $0x80;
	[tilespmem:s9+$0x0] =	vst.add.f32.msk $0xffff, v1;
	s9 =	spop (v2sf)  }
.LBB2_13:
0xee: {  	p2 =	sne.s32 s25, $0x1C0  }
0xef: {  	s10 =	sshra.s32 s0, $0x2;
	[tilespmem:s9+$0x0] =	vst.add.f32.msk $0xffff, v1;
	s0 =	smov.u32 s25;
	s25 =	sadd.s32 $0x40, s25  }
0xf0: {  	v2 =	vld [tilespmem:s10+$0x8080];
	_ =	sdelay $0x4  }
0xf1: {  	v2 =	vshll.u32 v2, $0x9  }
0xf2: {  	v2 =	vshra.s32 v2, $0x2  }
0xf3: {  	v2 =	vadd.s32 $0x8180, v2  }
0xf4: {  	(v2sf) =	vpush v2, $0x0  }
0xf5: {  	(v2sf) =	vpush v2, $0x1  }
0xf6: {  	(v2sf) =	vpush v2, $0x2  }
0xf7: {  	(v2sf) =	vpush v2, $0x3  }
0xf8: {  	(v2sf) =	vpush v2, $0x4  }
0xf9: {  	(v2sf) =	vpush v2, $0x5  }
0xfa: {  	(v2sf) =	vpush v2, $0x6  }
0xfb: {  	(v2sf) =	vpush v2, $0x7  }
0xfc: {  	(v2sf) =	vpush v2, $0x8  }
0xfd: {  	(v2sf) =	vpush v2, $0x9  }
0xfe: {  	(v2sf) =	vpush v2, $0xA  }
0xff: {  	(v2sf) =	vpush v2, $0xB  }
0x100: {  	(v2sf) =	vpush v2, $0xC  }
0x101: {  	(v2sf) =	vpush v2, $0xD  }
0x102: {  	(v2sf) =	vpush v2, $0xE  }
0x103: {  	s9 =	spop (v2sf);
	(v2sf) =	vpush v2, $0xF  }
0x104: {  	[tilespmem:s9+$0x0] =	vst.add.f32.msk $0xffff, v1;
	s9 =	spop (v2sf)  }
0x105: {  	[tilespmem:s9+$0x0] =	vst.add.f32.msk $0xffff, v1;
	s9 =	spop (v2sf)  }
0x106: {  	[tilespmem:s9+$0x0] =	vst.add.f32.msk $0xffff, v1;
	s9 =	spop (v2sf)  }
0x107: {  	[tilespmem:s9+$0x0] =	vst.add.f32.msk $0xffff, v1;
	s9 =	spop (v2sf)  }
0x108: {  	[tilespmem:s9+$0x0] =	vst.add.f32.msk $0xffff, v1;
	s9 =	spop (v2sf)  }
0x109: {  	[tilespmem:s9+$0x0] =	vst.add.f32.msk $0xffff, v1;
	s9 =	spop (v2sf)  }
0x10a: {  	[tilespmem:s9+$0x0] =	vst.add.f32.msk $0xffff, v1;
	s9 =	spop (v2sf)  }
0x10b: {  	[tilespmem:s9+$0x0] =	vst.add.f32.msk $0xffff, v1;
	s9 =	spop (v2sf)  }
0x10c: {  	[tilespmem:s9+$0x0] =	vst.add.f32.msk $0xffff, v1;
	s9 =	spop (v2sf)  }
0x10d: {  	[tilespmem:s9+$0x0] =	vst.add.f32.msk $0xffff, v1;
	s9 =	spop (v2sf)  }
.Ltmp11:
0x10e: {  	[tilespmem:s9+$0x0] =	vst.add.f32.msk $0xffff, v1;
	s9 =	spop (v2sf);
	(pc) =	sbr.rel @p2 .LBB2_13-.Ltmp11, $4  }
0x10f: {  	[tilespmem:s9+$0x0] =	vst.add.f32.msk $0xffff, v1;
	s9 =	spop (v2sf)  }
0x110: {  	[tilespmem:s9+$0x0] =	vst.add.f32.msk $0xffff, v1;
	s9 =	spop (v2sf)  }
0x111: {  	[tilespmem:s9+$0x0] =	vst.add.f32.msk $0xffff, v1;
	s9 =	spop (v2sf)  }
0x112: {  	[tilespmem:s9+$0x0] =	vst.add.f32.msk $0xffff, v1;
	s9 =	spop (v2sf)  }
0x113: {  	s0 =	sshra.s32 s0, $0x2;
	[tilespmem:s9+$0x0] =	vst.add.f32.msk $0xffff, v1  }
0x114: {  	v2 =	vld [tilespmem:s0+$0x8080];
	_ =	sdelay $0x4  }
0x115: {  	v2 =	vshll.u32 v2, $0x9  }
0x116: {  	v2 =	vshra.s32 v2, $0x2  }
0x117: {  	v2 =	vadd.s32 $0x8180, v2  }
0x118: {  	(v2sf) =	vpush v2, $0x0  }
0x119: {  	(v2sf) =	vpush v2, $0x1  }
0x11a: {  	(v2sf) =	vpush v2, $0x2  }
0x11b: {  	(v2sf) =	vpush v2, $0x3  }
0x11c: {  	(v2sf) =	vpush v2, $0x4  }
0x11d: {  	(v2sf) =	vpush v2, $0x5  }
0x11e: {  	(v2sf) =	vpush v2, $0x6  }
0x11f: {  	(v2sf) =	vpush v2, $0x7  }
0x120: {  	(v2sf) =	vpush v2, $0x8  }
0x121: {  	(v2sf) =	vpush v2, $0x9  }
0x122: {  	(v2sf) =	vpush v2, $0xA  }
0x123: {  	(v2sf) =	vpush v2, $0xB  }
0x124: {  	(v2sf) =	vpush v2, $0xC  }
0x125: {  	(v2sf) =	vpush v2, $0xD  }
0x126: {  	(v2sf) =	vpush v2, $0xE  }
0x127: {  	s31 =	spop (v2sf);
	(v2sf) =	vpush v2, $0xF  }
0x128: {  	[tilespmem:s31+$0x0] =	vst.add.f32.msk $0xffff, v1;
	s9 =	spop (v2sf)  }
0x129: {  	[tilespmem:s9+$0x0] =	vst.add.f32.msk $0xffff, v1;
	s10 =	spop (v2sf)  }
0x12a: {  	[tilespmem:s10+$0x0] =	vst.add.f32.msk $0xffff, v1;
	s25 =	spop (v2sf)  }
0x12b: {  	[tilespmem:s25+$0x0] =	vst.add.f32.msk $0xffff, v1;
	s26 =	spop (v2sf)  }
0x12c: {  	[tilespmem:s26+$0x0] =	vst.add.f32.msk $0xffff, v1;
	s31 =	spop (v2sf)  }
0x12d: {  	[tilespmem:s31+$0x0] =	vst.add.f32.msk $0xffff, v1;
	s9 =	spop (v2sf)  }
0x12e: {  	[tilespmem:s9+$0x0] =	vst.add.f32.msk $0xffff, v1;
	s10 =	spop (v2sf)  }
0x12f: {  	[tilespmem:s10+$0x0] =	vst.add.f32.msk $0xffff, v1;
	s25 =	spop (v2sf)  }
0x130: {  	[tilespmem:s25+$0x0] =	vst.add.f32.msk $0xffff, v1;
	s26 =	spop (v2sf)  }
0x131: {  	[tilespmem:s26+$0x0] =	vst.add.f32.msk $0xffff, v1;
	s31 =	spop (v2sf)  }
0x132: {  	[tilespmem:s31+$0x0] =	vst.add.f32.msk $0xffff, v1;
	s9 =	spop (v2sf)  }
0x133: {  	[tilespmem:s9+$0x0] =	vst.add.f32.msk $0xffff, v1;
	s10 =	spop (v2sf)  }
0x134: {  	[tilespmem:s10+$0x0] =	vst.add.f32.msk $0xffff, v1;
	s25 =	spop (v2sf)  }
0x135: {  	[tilespmem:s25+$0x0] =	vst.add.f32.msk $0xffff, v1;
	s26 =	spop (v2sf)  }
.Ltmp12:
0x136: {  	[tilespmem:s26+$0x0] =	vst.add.f32.msk $0xffff, v1;
	s31 =	spop (v2sf);
	(pc) =	sbr.rel .LBB2_15-.Ltmp12, $4  }
0x137: {  	[tilespmem:s31+$0x0] =	vst.add.f32.msk $0xffff, v1  }
0x138: {  	_ =	swait.ge [sflag:s24], $0x4000  }
0x139: {  	[sflag:s24] =	ssyncset.done $0x0  }
0x13a: {  	[sflag:s24] =	ssyncadd.s32 $0xFFFFC000  }
.LBB2_16:
.Ltmp13:
0x13b: {  	(pc) =	sbr.rel @p1 .LBB2_18-.Ltmp13, $1  }
0x13c: {  	_ =	sdelay $0x3  }
0x13d: {  	s0 =	rddreg [dreg:$0x5];
	s9 =	simm.s32 $0x8100  }
0x13e: {  	[tilespmem:s9], [sflag:$0x2] =	stream.linear.gather [hbm4b:s0+s4], $0x20, $0x38;
	[tilespmem:$0x19180] =	vst v63  }
0x13f: {  	_ =	swait.ge [sflag:s16], $0x20  }
0x140: {  	[sflag:s16] =	ssyncset.done $0x0  }
0x141: {  	s25 =	rddreg [dreg:$0x6];
	[sflag:s16] =	ssyncadd.s32 $0xFFFFFFE0  }
0x142: {  	[tilespmem:s4], [sflag:$0x1] =	stream.linear.gather [hbm4b:s25+s4], $0x1000, $0x38;
	[tilespmem:$0x19180] =	vst v63  }
0x143: {  	_ =	swait.ge [sflag:s17], $0x1000  }
0x144: {  	[sflag:s17] =	ssyncset.done $0x0  }
0x145: {  	s26 =	simm.s32 $0x20;
	[sflag:s17] =	ssyncadd.s32 $0xFFFFF000  }
0x146: {  	[spmem:s3] =	stream.indirect.scatter.add.f32 [tilespmem:s4], [sflag:$0x5], $0x80, s9, s26, $0xb8;
	[tilespmem:$0x19180] =	vst v63  }
0x147: {  	v2 =	vld [tilespmem:$0x8100];
	_ =	sdelay $0x4  }
0x148: {  	v2 =	vshll.u32 v2, $0x9  }
0x149: {  	v2 =	vshra.s32 v2, $0x2  }
0x14a: {  	v2 =	vadd.s32 $0x8180, v2  }
0x14b: {  	(v2sf) =	vpush v2, $0x0  }
0x14c: {  	(v2sf) =	vpush v2, $0x1  }
0x14d: {  	(v2sf) =	vpush v2, $0x2  }
0x14e: {  	(v2sf) =	vpush v2, $0x3  }
0x14f: {  	(v2sf) =	vpush v2, $0x4  }
0x150: {  	(v2sf) =	vpush v2, $0x5  }
0x151: {  	(v2sf) =	vpush v2, $0x6  }
0x152: {  	(v2sf) =	vpush v2, $0x7  }
0x153: {  	(v2sf) =	vpush v2, $0x8  }
0x154: {  	(v2sf) =	vpush v2, $0x9  }
0x155: {  	(v2sf) =	vpush v2, $0xA  }
0x156: {  	(v2sf) =	vpush v2, $0xB  }
0x157: {  	(v2sf) =	vpush v2, $0xC  }
0x158: {  	(v2sf) =	vpush v2, $0xD  }
0x159: {  	(v2sf) =	vpush v2, $0xE  }
0x15a: {  	s30 =	spop (v2sf);
	(v2sf) =	vpush v2, $0xF  }
0x15b: {  	[tilespmem:s30+$0x0] =	vst.add.f32.msk $0xffff, v1;
	s31 =	spop (v2sf)  }
0x15c: {  	[tilespmem:s31+$0x0] =	vst.add.f32.msk $0xffff, v1;
	s9 =	spop (v2sf)  }
0x15d: {  	[tilespmem:s9+$0x0] =	vst.add.f32.msk $0xffff, v1;
	s10 =	spop (v2sf)  }
0x15e: {  	[tilespmem:s10+$0x0] =	vst.add.f32.msk $0xffff, v1;
	s25 =	spop (v2sf)  }
0x15f: {  	[tilespmem:s25+$0x0] =	vst.add.f32.msk $0xffff, v1;
	s26 =	spop (v2sf)  }
0x160: {  	[tilespmem:s26+$0x0] =	vst.add.f32.msk $0xffff, v1;
	s30 =	spop (v2sf)  }
0x161: {  	[tilespmem:s30+$0x0] =	vst.add.f32.msk $0xffff, v1;
	s31 =	spop (v2sf)  }
0x162: {  	[tilespmem:s31+$0x0] =	vst.add.f32.msk $0xffff, v1;
	s9 =	spop (v2sf)  }
0x163: {  	[tilespmem:s9+$0x0] =	vst.add.f32.msk $0xffff, v1;
	s10 =	spop (v2sf)  }
0x164: {  	[tilespmem:s10+$0x0] =	vst.add.f32.msk $0xffff, v1;
	s25 =	spop (v2sf)  }
0x165: {  	[tilespmem:s25+$0x0] =	vst.add.f32.msk $0xffff, v1;
	s26 =	spop (v2sf)  }
0x166: {  	[tilespmem:s26+$0x0] =	vst.add.f32.msk $0xffff, v1;
	s30 =	spop (v2sf)  }
0x167: {  	[tilespmem:s30+$0x0] =	vst.add.f32.msk $0xffff, v1;
	s31 =	spop (v2sf)  }
0x168: {  	[tilespmem:s31+$0x0] =	vst.add.f32.msk $0xffff, v1;
	s9 =	spop (v2sf)  }
0x169: {  	[tilespmem:s9+$0x0] =	vst.add.f32.msk $0xffff, v1;
	s10 =	spop (v2sf)  }
0x16a: {  	[tilespmem:s10+$0x0] =	vst.add.f32.msk $0xffff, v1  }
0x16b: {  	v2 =	vld [tilespmem:$0x8110];
	_ =	sdelay $0x4  }
0x16c: {  	v2 =	vshll.u32 v2, $0x9  }
0x16d: {  	v2 =	vshra.s32 v2, $0x2  }
0x16e: {  	v2 =	vadd.s32 $0x8180, v2  }
0x16f: {  	(v2sf) =	vpush v2, $0x0  }
0x170: {  	(v2sf) =	vpush v2, $0x1  }
0x171: {  	(v2sf) =	vpush v2, $0x2  }
0x172: {  	(v2sf) =	vpush v2, $0x3  }
0x173: {  	(v2sf) =	vpush v2, $0x4  }
0x174: {  	(v2sf) =	vpush v2, $0x5  }
0x175: {  	(v2sf) =	vpush v2, $0x6  }
0x176: {  	(v2sf) =	vpush v2, $0x7  }
0x177: {  	(v2sf) =	vpush v2, $0x8  }
0x178: {  	(v2sf) =	vpush v2, $0x9  }
0x179: {  	(v2sf) =	vpush v2, $0xA  }
0x17a: {  	(v2sf) =	vpush v2, $0xB  }
0x17b: {  	(v2sf) =	vpush v2, $0xC  }
0x17c: {  	(v2sf) =	vpush v2, $0xD  }
0x17d: {  	(v2sf) =	vpush v2, $0xE  }
0x17e: {  	s25 =	spop (v2sf);
	(v2sf) =	vpush v2, $0xF  }
0x17f: {  	[tilespmem:s25+$0x0] =	vst.add.f32.msk $0xffff, v1;
	s26 =	spop (v2sf)  }
0x180: {  	[tilespmem:s26+$0x0] =	vst.add.f32.msk $0xffff, v1;
	s30 =	spop (v2sf)  }
0x181: {  	[tilespmem:s30+$0x0] =	vst.add.f32.msk $0xffff, v1;
	s31 =	spop (v2sf)  }
0x182: {  	[tilespmem:s31+$0x0] =	vst.add.f32.msk $0xffff, v1;
	s9 =	spop (v2sf)  }
0x183: {  	[tilespmem:s9+$0x0] =	vst.add.f32.msk $0xffff, v1;
	s10 =	spop (v2sf)  }
0x184: {  	[tilespmem:s10+$0x0] =	vst.add.f32.msk $0xffff, v1;
	s25 =	spop (v2sf)  }
0x185: {  	[tilespmem:s25+$0x0] =	vst.add.f32.msk $0xffff, v1;
	s26 =	spop (v2sf)  }
0x186: {  	[tilespmem:s26+$0x0] =	vst.add.f32.msk $0xffff, v1;
	s30 =	spop (v2sf)  }
0x187: {  	[tilespmem:s30+$0x0] =	vst.add.f32.msk $0xffff, v1;
	s31 =	spop (v2sf)  }
0x188: {  	[tilespmem:s31+$0x0] =	vst.add.f32.msk $0xffff, v1;
	s9 =	spop (v2sf)  }
0x189: {  	[tilespmem:s9+$0x0] =	vst.add.f32.msk $0xffff, v1;
	s10 =	spop (v2sf)  }
0x18a: {  	[tilespmem:s10+$0x0] =	vst.add.f32.msk $0xffff, v1;
	s25 =	spop (v2sf)  }
0x18b: {  	[tilespmem:s25+$0x0] =	vst.add.f32.msk $0xffff, v1;
	s26 =	spop (v2sf)  }
0x18c: {  	[tilespmem:s26+$0x0] =	vst.add.f32.msk $0xffff, v1;
	s30 =	spop (v2sf)  }
.Ltmp14:
0x18d: {  	[tilespmem:s30+$0x0] =	vst.add.f32.msk $0xffff, v1;
	s31 =	spop (v2sf);
	(pc) =	sbr.rel .LBB2_18-.Ltmp14, $4  }
0x18e: {  	[tilespmem:s31+$0x0] =	vst.add.f32.msk $0xffff, v1  }
0x18f: {  	_ =	swait.ge [sflag:s19], $0x1000  }
0x190: {  	[sflag:s19] =	ssyncset.done $0x0  }
0x191: {  	[sflag:s19] =	ssyncadd.s32 $0xFFFFF000  }
.LBB2_19:
0x192: {  	_ =	sfence.sel $0x180000  }
0x193: {  	[bflag:$0x0] =	sbarrier.arrive $0xFFFF  }
0x194: {  	_ =	strace $0x90000047  }
0x195: {  	[bflag:$0x2] =	sbarrier.arrive $0xFFFF  }
0x196: {  	s0 =	rddreg [dreg:$0x4]  }
0x197: {  	s0 =	sadd.s32 @!p0 $0x100000, s0  }
0x198: {  	[sflag:s0] =	ssyncadd.tile.s32 @!p0 $0x1;
	_ =	shalt  }
.Lfunc_end2:
_tile_overlayer_lowered:
.L_overlay_start_2:
0x199: {  	(tag) =	ssettag $0x2  }
0x19a: {  	s0 =	rddreg [dreg:$0x0];
	s2 =	stileid.u32  }
0x19b: {  	s1 =	rddreg [dreg:$0x1];
	p0 =	sne.s32 s2, $0x0  }
0x19c: {  	s3 =	rddreg [dreg:$0x2];
	[bflag:$0x3] =	sbarrier.arrive $0xFFFF;
	s2 =	simm.s32 @!p0 $0x1C07  }
0x19d: {  	[timem:s3], [sflag:s2] =	dma.local @!p0 [hbm:s0], s1  }
0x19e: {  	s0 =	simm.s32 @!p0 $0x7  }
0x19f: {  	_ =	swait.ge @!p0 [sflag:s0], s1  }
0x1a0: {  	s1 =	ssub.s32 @!p0 $0x0, s1;
	[sflag:s0] =	ssyncset.done @!p0 $0x0  }
0x1a1: {  	[sflag:s0] =	ssyncadd.s32 @!p0 s1  }
0x1a2: {  	[bflag:$0x3] =	sbarrier.arrive $0xFFFF  }
0x1a3: {  	_ =	shalt  }

</sc_bundles>
